<compile_context>
chip_gen: v7x
topology: tpu7x:2x2x1
jax: 0.10.2.dev20260603
libtpu: 0.0.44.dev20260713+nightly
codegen_flags: <defaults>
</compile_context>

<pallas_src>
import functools

import jax
import jax.numpy as jnp
from jax import lax
from jax.experimental import pallas as pl
from jax.experimental.pallas import tpu as pltpu
from jax.experimental.pallas import tpu_sc as plsc

N_NODES = 10000
N_EDGES = 320000
D_FEAT = 128

NC = 2
NS = 16
NW = NC * NS

EDGES_PER_TILE = N_EDGES // NW
CHUNK = 80
NCHUNKS = EDGES_PER_TILE // CHUNK
NOCTETS = (NCHUNKS + 7) // 8
RCHUNK = 80
NRCHUNKS = N_NODES // RCHUNK
RROUNDS = (NRCHUNKS + NS - 1) // NS


def _mm_disc_body(x_ref, w_ref, b_ref, o_ref):
    o_ref[...] = (
        jnp.dot(x_ref[...], w_ref[...], preferred_element_type=jnp.float32)
        + b_ref[...]
    )


def _mm_inc_body(p_ref, w_ref, b_ref, o_ref):
    s = p_ref[0] + p_ref[1]
    o_ref[...] = jnp.maximum(
        jnp.dot(s, w_ref[...], preferred_element_type=jnp.float32) + b_ref[...],
        0.0,
    )


_sc_mesh = plsc.VectorSubcoreMesh(core_axis_name="c", subcore_axis_name="s")

_idx_scratch = [pltpu.VMEM((CHUNK,), jnp.int32) for _ in range(16)]


@functools.partial(
    pl.kernel,
    out_type=jax.ShapeDtypeStruct((NC, N_NODES, D_FEAT), jnp.float32),
    mesh=_sc_mesh,
    scratch_types=[pltpu.VMEM((4, CHUNK, D_FEAT), jnp.float32)]
    + _idx_scratch
    + [
        pltpu.VMEM_SHARED((N_NODES, D_FEAT), jnp.float32),
        pltpu.SemaphoreType.DMA,
        pltpu.SemaphoreType.DMA,
        pltpu.SemaphoreType.DMA,
        pltpu.SemaphoreType.DMA,
        pltpu.SemaphoreType.DMA,
    ],
)
def _sc_scatter(h_hbm, src_hbm, dst_hbm, out_hbm, rows4,
                s0, s1, s2, s3, s4, s5, s6, s7,
                d0, d1, d2, d3, d4, d5, d6, d7,
                acc_sh, ism, idm, gsem, gsem2, ssem):
    gsems = [gsem, gsem2]
    c = lax.axis_index("c")
    s = lax.axis_index("s")
    wid = c * NS + s
    ebase = wid * EDGES_PER_TILE
    srcb = [s0, s1, s2, s3, s4, s5, s6, s7]
    dstb = [d0, d1, d2, d3, d4, d5, d6, d7]

    def _zrow(i, carry):
        for j in range(D_FEAT // 16):
            rows4[0, i, pl.ds(j * 16, 16)] = jnp.zeros((16,), jnp.float32)
        return carry

    lax.fori_loop(0, CHUNK, _zrow, 0)

    def _zcopy(k, carry):
        chunk = k * NS + s

        @pl.when(chunk < NRCHUNKS)
        def _():
            pltpu.sync_copy(
                rows4.at[0], acc_sh.at[pl.ds(chunk * RCHUNK, RCHUNK)]
            )

        return carry

    lax.fori_loop(0, RROUNDS, _zcopy, 0)

    for t in range(7):
        pltpu.async_copy(src_hbm.at[pl.ds(ebase + t * CHUNK, CHUNK)], srcb[t], ism)
        pltpu.async_copy(dst_hbm.at[pl.ds(ebase + t * CHUNK, CHUNK)], dstb[t], idm)
    for t in range(3):
        pltpu.make_async_copy(src_hbm.at[pl.ds(0, CHUNK)], srcb[t], ism).wait()
        pltpu.async_copy(h_hbm.at[srcb[t]], rows4.at[t], gsems[t % 2])
    plsc.subcore_barrier()

    def _octet(k, carry):
        for j in range(8):
            m = k * 8 + j

            @pl.when(m < NCHUNKS)
            def _(j=j, m=m):
                pltpu.make_async_copy(h_hbm.at[srcb[j]], rows4.at[j % 4], gsems[j % 2]).wait()
                pltpu.make_async_copy(dst_hbm.at[pl.ds(0, CHUNK)], dstb[j], idm).wait()
                pltpu.async_copy(rows4.at[j % 4], acc_sh.at[dstb[j]], ssem, add=True)

                @pl.when(m > 0)
                def _():
                    pltpu.make_async_copy(rows4.at[0], acc_sh.at[dstb[0]], ssem).wait()

                @pl.when(m + 7 < NCHUNKS)
                def _(j=j, m=m):
                    off = ebase + (m + 7) * CHUNK
                    pltpu.async_copy(src_hbm.at[pl.ds(off, CHUNK)], srcb[(j + 7) % 8], ism)
                    pltpu.async_copy(dst_hbm.at[pl.ds(off, CHUNK)], dstb[(j + 7) % 8], idm)

                @pl.when(m + 3 < NCHUNKS)
                def _(j=j, m=m):
                    pltpu.make_async_copy(src_hbm.at[pl.ds(0, CHUNK)], srcb[(j + 3) % 8], ism).wait()
                    pltpu.async_copy(h_hbm.at[srcb[(j + 3) % 8]], rows4.at[(j + 3) % 4], gsems[(j + 3) % 2])

        return carry

    lax.fori_loop(0, NOCTETS, _octet, 0)
    pltpu.make_async_copy(rows4.at[0], acc_sh.at[dstb[0]], ssem).wait()
    plsc.subcore_barrier()

    def _wcopy(k, carry):
        chunk = k * NS + s

        @pl.when(chunk < NRCHUNKS)
        def _():
            pltpu.sync_copy(
                acc_sh.at[pl.ds(chunk * RCHUNK, RCHUNK)],
                out_hbm.at[c].at[pl.ds(chunk * RCHUNK, RCHUNK)],
            )

        return carry

    lax.fori_loop(0, RROUNDS, _wcopy, 0)


@jax.jit
def kernel(x, edge_index, W_disc, b_disc, W_inc, b_inc):
    src = edge_index[0].astype(jnp.int32)
    dst = edge_index[1].astype(jnp.int32)

    h = pl.pallas_call(
        _mm_disc_body,
        out_shape=jax.ShapeDtypeStruct((N_NODES, D_FEAT), jnp.float32),
    )(x, W_disc, b_disc.reshape(1, D_FEAT))

    partials = _sc_scatter(h, src, dst)

    out = pl.pallas_call(
        _mm_inc_body,
        out_shape=jax.ShapeDtypeStruct((N_NODES, D_FEAT), jnp.float32),
    )(partials, W_inc, b_inc.reshape(1, D_FEAT))
    return out

# --- scband reference (transcript-rebuilt; emitter-appended) ---
"""Pipeline reference for scband-gcn-69784628625760 (READ-ONLY COPY).

The authoritative reference and input builder live on the scoring server;
editing this copy changes nothing except your own understanding.
"""

import jax, jax.numpy as jnp
import numpy as np

N_NODES = 10000
N_EDGES = 320000
D_FEAT = 128


def setup_inputs(seed: int = 0) -> dict:
    key = jax.random.key(seed)
    k_x, k_e, k_w1, k_b1, k_w2, k_b2 = jax.random.split(key, 6)
    x = jax.random.normal(k_x, (N_NODES, D_FEAT), dtype=jnp.float32)
    edge_index = jax.random.randint(k_e, (2, N_EDGES), 0, N_NODES, dtype=jnp.int64)
    # discovery: Linear(d_feat, d_feat)
    W_disc = jax.random.normal(k_w1, (D_FEAT, D_FEAT), dtype=jnp.float32) * (1.0 / np.sqrt(D_FEAT))
    b_disc = jax.random.normal(k_b1, (D_FEAT,), dtype=jnp.float32) * 0.01
    # inclusion: Linear(d_feat, d_feat) + relu
    W_inc = jax.random.normal(k_w2, (D_FEAT, D_FEAT), dtype=jnp.float32) * (1.0 / np.sqrt(D_FEAT))
    b_inc = jax.random.normal(k_b2, (D_FEAT,), dtype=jnp.float32) * 0.01
    return {"x": x, "edge_index": edge_index, "W_disc": W_disc, "b_disc": b_disc, "W_inc": W_inc, "b_inc": b_inc}


def reference(x, edge_index, W_disc, b_disc, W_inc, b_inc):
    # g.set_data('.hidden', data); g.apply(discovery, '.hidden')
    h = x @ W_disc + b_disc
    # g.push(aggregation='sum', data='.hidden'): gather source hidden states along
    # edges, scatter-add (sum aggregation) into destination nodes.
    src = edge_index[0]
    dst = edge_index[1]
    msgs = jnp.take(h, src, axis=0)
    agg = jnp.zeros_like(h).at[dst].add(msgs)
    # g.apply(inclusion, '.hidden')
    out = jax.nn.relu(agg @ W_inc + b_inc)
    # g.pop_data('.hidden')
    return out

if __name__ == "__main__":
    import jax
    _d = setup_inputs()
    print(jax.jit(kernel)(*tuple(_d.values())))

</pallas_src>

<mosaic_0001>
#map = affine_map<(d0, d1) -> (0, 0)>
#map1 = affine_map<(d0, d1) -> (0)>
#map2 = affine_map<(d0, d1) -> (0, 0, 0)>
module attributes {stable_mosaic.version = 14 : i64} {
  func.func @_sc_scatter(%arg0: i32, %arg1: i32, %arg2: memref<10000x128xf32, #tpu.memory_space<hbm>>, %arg3: memref<320000xi32, #tpu.memory_space<hbm>>, %arg4: memref<320000xi32, #tpu.memory_space<hbm>>, %arg5: memref<2x10000x128xf32, #tpu.memory_space<hbm>>, %arg6: memref<4x80x128xf32, #tpu.memory_space<vmem>>, %arg7: memref<80xi32, #tpu.memory_space<vmem>>, %arg8: memref<80xi32, #tpu.memory_space<vmem>>, %arg9: memref<80xi32, #tpu.memory_space<vmem>>, %arg10: memref<80xi32, #tpu.memory_space<vmem>>, %arg11: memref<80xi32, #tpu.memory_space<vmem>>, %arg12: memref<80xi32, #tpu.memory_space<vmem>>, %arg13: memref<80xi32, #tpu.memory_space<vmem>>, %arg14: memref<80xi32, #tpu.memory_space<vmem>>, %arg15: memref<80xi32, #tpu.memory_space<vmem>>, %arg16: memref<80xi32, #tpu.memory_space<vmem>>, %arg17: memref<80xi32, #tpu.memory_space<vmem>>, %arg18: memref<80xi32, #tpu.memory_space<vmem>>, %arg19: memref<80xi32, #tpu.memory_space<vmem>>, %arg20: memref<80xi32, #tpu.memory_space<vmem>>, %arg21: memref<80xi32, #tpu.memory_space<vmem>>, %arg22: memref<80xi32, #tpu.memory_space<vmem>>, %arg23: memref<10000x128xf32, #tpu.memory_space<vmem_shared>>, %arg24: memref<!tpu.dma_semaphore, #tpu.memory_space<semaphore_mem>>, %arg25: memref<!tpu.dma_semaphore, #tpu.memory_space<semaphore_mem>>, %arg26: memref<!tpu.dma_semaphore, #tpu.memory_space<semaphore_mem>>, %arg27: memref<!tpu.dma_semaphore, #tpu.memory_space<semaphore_mem>>, %arg28: memref<!tpu.dma_semaphore, #tpu.memory_space<semaphore_mem>>) attributes {dimension_semantics = [#tpu.dimension_semantics<core_parallel>, #tpu.dimension_semantics<subcore_parallel>], iteration_bounds = array<i64: 2, 16>, scalar_prefetch = 0 : i64, scratch_operands = 23 : i64, tpu.core_type = #tpu.core_type<sc_vector_subcore>, window_params = [{transform_indices = #map}, {transform_indices = #map1}, {transform_indices = #map1}, {transform_indices = #map2}]} {
    %mul3A = arith.constant 16 : i32
    %mul3A_0 = arith.muli %arg0, %mul3A : i32
    %add3A = arith.addi %mul3A_0, %arg1 : i32
    %mul3A_1 = arith.constant 10000 : i32
    %mul3A_2 = arith.muli %add3A, %mul3A_1 : i32
    %scan3A = arith.constant 0 : i32
    %scan3A_3 = arith.constant 0 : i32
    %scan3A_4 = arith.constant 80 : i32
    %scan3A_5 = arith.addi %scan3A_3, %scan3A_4 : i32
    %scan3A_6 = arith.constant 1 : i32
    scf.for %scan3A_125 = %scan3A_3 to %scan3A_5 step %scan3A_6  : i32 {
      %broadcast_in_dim3A = arith.constant 0.000000e+00 : f32
      %broadcast_in_dim3A_126 = vector.broadcast %broadcast_in_dim3A : f32 to vector<16xf32>
      %swap3A = arith.constant 0 : i32
      %swap3A_127 = arith.index_cast %swap3A : i32 to index
      %swap3A_128 = arith.index_cast %scan3A_125 : i32 to index
      %swap3A_129 = arith.constant 0 : index
      %swap3A_130 = tpu.vector_load %arg6[%swap3A_127, %swap3A_128, %swap3A_129] {strides = array<i32>} : memref<4x80x128xf32, #tpu.memory_space<vmem>>, vector<1x1x16xf32>,
      %swap3A_131 = vector.shape_cast %swap3A_130 : vector<1x1x16xf32> to vector<16xf32>
      %swap3A_132 = vector.shape_cast %broadcast_in_dim3A_126 : vector<16xf32> to vector<1x1x16xf32>
      tpu.vector_store %arg6[%swap3A_127, %swap3A_128, %swap3A_129], %swap3A_132 {strides = array<i32>} : memref<4x80x128xf32, #tpu.memory_space<vmem>>, vector<1x1x16xf32>,
      %broadcast_in_dim3A_133 = arith.constant 0.000000e+00 : f32
      %broadcast_in_dim3A_134 = vector.broadcast %broadcast_in_dim3A_133 : f32 to vector<16xf32>
      %swap3A_135 = arith.constant 0 : i32
      %swap3A_136 = arith.index_cast %swap3A_135 : i32 to index
      %swap3A_137 = arith.index_cast %scan3A_125 : i32 to index
      %swap3A_138 = arith.constant 16 : index
      %swap3A_139 = tpu.vector_load %arg6[%swap3A_136, %swap3A_137, %swap3A_138] {strides = array<i32>} : memref<4x80x128xf32, #tpu.memory_space<vmem>>, vector<1x1x16xf32>,
      %swap3A_140 = vector.shape_cast %swap3A_139 : vector<1x1x16xf32> to vector<16xf32>
      %swap3A_141 = vector.shape_cast %broadcast_in_dim3A_134 : vector<16xf32> to vector<1x1x16xf32>
      tpu.vector_store %arg6[%swap3A_136, %swap3A_137, %swap3A_138], %swap3A_141 {strides = array<i32>} : memref<4x80x128xf32, #tpu.memory_space<vmem>>, vector<1x1x16xf32>,
      %broadcast_in_dim3A_142 = arith.constant 0.000000e+00 : f32
      %broadcast_in_dim3A_143 = vector.broadcast %broadcast_in_dim3A_142 : f32 to vector<16xf32>
      %swap3A_144 = arith.constant 0 : i32
      %swap3A_145 = arith.index_cast %swap3A_144 : i32 to index
      %swap3A_146 = arith.index_cast %scan3A_125 : i32 to index
      %swap3A_147 = arith.constant 32 : index
      %swap3A_148 = tpu.vector_load %arg6[%swap3A_145, %swap3A_146, %swap3A_147] {strides = array<i32>} : memref<4x80x128xf32, #tpu.memory_space<vmem>>, vector<1x1x16xf32>,
      %swap3A_149 = vector.shape_cast %swap3A_148 : vector<1x1x16xf32> to vector<16xf32>
      %swap3A_150 = vector.shape_cast %broadcast_in_dim3A_143 : vector<16xf32> to vector<1x1x16xf32>
      tpu.vector_store %arg6[%swap3A_145, %swap3A_146, %swap3A_147], %swap3A_150 {strides = array<i32>} : memref<4x80x128xf32, #tpu.memory_space<vmem>>, vector<1x1x16xf32>,
      %broadcast_in_dim3A_151 = arith.constant 0.000000e+00 : f32
      %broadcast_in_dim3A_152 = vector.broadcast %broadcast_in_dim3A_151 : f32 to vector<16xf32>
      %swap3A_153 = arith.constant 0 : i32
      %swap3A_154 = arith.index_cast %swap3A_153 : i32 to index
      %swap3A_155 = arith.index_cast %scan3A_125 : i32 to index
      %swap3A_156 = arith.constant 48 : index
      %swap3A_157 = tpu.vector_load %arg6[%swap3A_154, %swap3A_155, %swap3A_156] {strides = array<i32>} : memref<4x80x128xf32, #tpu.memory_space<vmem>>, vector<1x1x16xf32>,
      %swap3A_158 = vector.shape_cast %swap3A_157 : vector<1x1x16xf32> to vector<16xf32>
      %swap3A_159 = vector.shape_cast %broadcast_in_dim3A_152 : vector<16xf32> to vector<1x1x16xf32>
      tpu.vector_store %arg6[%swap3A_154, %swap3A_155, %swap3A_156], %swap3A_159 {strides = array<i32>} : memref<4x80x128xf32, #tpu.memory_space<vmem>>, vector<1x1x16xf32>,
      %broadcast_in_dim3A_160 = arith.constant 0.000000e+00 : f32
      %broadcast_in_dim3A_161 = vector.broadcast %broadcast_in_dim3A_160 : f32 to vector<16xf32>
      %swap3A_162 = arith.constant 0 : i32
      %swap3A_163 = arith.index_cast %swap3A_162 : i32 to index
      %swap3A_164 = arith.index_cast %scan3A_125 : i32 to index
      %swap3A_165 = arith.constant 64 : index
      %swap3A_166 = tpu.vector_load %arg6[%swap3A_163, %swap3A_164, %swap3A_165] {strides = array<i32>} : memref<4x80x128xf32, #tpu.memory_space<vmem>>, vector<1x1x16xf32>,
      %swap3A_167 = vector.shape_cast %swap3A_166 : vector<1x1x16xf32> to vector<16xf32>
      %swap3A_168 = vector.shape_cast %broadcast_in_dim3A_161 : vector<16xf32> to vector<1x1x16xf32>
      tpu.vector_store %arg6[%swap3A_163, %swap3A_164, %swap3A_165], %swap3A_168 {strides = array<i32>} : memref<4x80x128xf32, #tpu.memory_space<vmem>>, vector<1x1x16xf32>,
      %broadcast_in_dim3A_169 = arith.constant 0.000000e+00 : f32
      %broadcast_in_dim3A_170 = vector.broadcast %broadcast_in_dim3A_169 : f32 to vector<16xf32>
      %swap3A_171 = arith.constant 0 : i32
      %swap3A_172 = arith.index_cast %swap3A_171 : i32 to index
      %swap3A_173 = arith.index_cast %scan3A_125 : i32 to index
      %swap3A_174 = arith.constant 80 : index
      %swap3A_175 = tpu.vector_load %arg6[%swap3A_172, %swap3A_173, %swap3A_174] {strides = array<i32>} : memref<4x80x128xf32, #tpu.memory_space<vmem>>, vector<1x1x16xf32>,
      %swap3A_176 = vector.shape_cast %swap3A_175 : vector<1x1x16xf32> to vector<16xf32>
      %swap3A_177 = vector.shape_cast %broadcast_in_dim3A_170 : vector<16xf32> to vector<1x1x16xf32>
      tpu.vector_store %arg6[%swap3A_172, %swap3A_173, %swap3A_174], %swap3A_177 {strides = array<i32>} : memref<4x80x128xf32, #tpu.memory_space<vmem>>, vector<1x1x16xf32>,
      %broadcast_in_dim3A_178 = arith.constant 0.000000e+00 : f32
      %broadcast_in_dim3A_179 = vector.broadcast %broadcast_in_dim3A_178 : f32 to vector<16xf32>
      %swap3A_180 = arith.constant 0 : i32
      %swap3A_181 = arith.index_cast %swap3A_180 : i32 to index
      %swap3A_182 = arith.index_cast %scan3A_125 : i32 to index
      %swap3A_183 = arith.constant 96 : index
      %swap3A_184 = tpu.vector_load %arg6[%swap3A_181, %swap3A_182, %swap3A_183] {strides = array<i32>} : memref<4x80x128xf32, #tpu.memory_space<vmem>>, vector<1x1x16xf32>,
      %swap3A_185 = vector.shape_cast %swap3A_184 : vector<1x1x16xf32> to vector<16xf32>
      %swap3A_186 = vector.shape_cast %broadcast_in_dim3A_179 : vector<16xf32> to vector<1x1x16xf32>
      tpu.vector_store %arg6[%swap3A_181, %swap3A_182, %swap3A_183], %swap3A_186 {strides = array<i32>} : memref<4x80x128xf32, #tpu.memory_space<vmem>>, vector<1x1x16xf32>,
      %broadcast_in_dim3A_187 = arith.constant 0.000000e+00 : f32
      %broadcast_in_dim3A_188 = vector.broadcast %broadcast_in_dim3A_187 : f32 to vector<16xf32>
      %swap3A_189 = arith.constant 0 : i32
      %swap3A_190 = arith.index_cast %swap3A_189 : i32 to index
      %swap3A_191 = arith.index_cast %scan3A_125 : i32 to index
      %swap3A_192 = arith.constant 112 : index
      %swap3A_193 = tpu.vector_load %arg6[%swap3A_190, %swap3A_191, %swap3A_192] {strides = array<i32>} : memref<4x80x128xf32, #tpu.memory_space<vmem>>, vector<1x1x16xf32>,
      %swap3A_194 = vector.shape_cast %swap3A_193 : vector<1x1x16xf32> to vector<16xf32>
      %swap3A_195 = vector.shape_cast %broadcast_in_dim3A_188 : vector<16xf32> to vector<1x1x16xf32>
      tpu.vector_store %arg6[%swap3A_190, %swap3A_191, %swap3A_192], %swap3A_195 {strides = array<i32>} : memref<4x80x128xf32, #tpu.memory_space<vmem>>, vector<1x1x16xf32>,
    }
    %scan3A_7 = arith.constant 80 : i32
    %scan3A_8 = arith.constant 0 : i32
    %scan3A_9 = arith.constant 0 : i32
    %scan3A_10 = arith.constant 8 : i32
    %scan3A_11 = arith.addi %scan3A_9, %scan3A_10 : i32
    %scan3A_12 = arith.constant 1 : i32
    scf.for %scan3A_125 = %scan3A_9 to %scan3A_11 step %scan3A_12  : i32 {
      %mul3A_126 = arith.constant 16 : i32
      %mul3A_127 = arith.muli %scan3A_125, %mul3A_126 : i32
      %add3A_128 = arith.addi %mul3A_127, %arg1 : i32
      %lt3A = arith.constant 125 : i32
      %lt3A_129 = arith.cmpi slt, %add3A_128, %lt3A : i32
      %convert_element_type3A = arith.extui %lt3A_129 : i1 to i32
      %cond3A = arith.constant 0 : i32
      %cond3A_130 = arith.cmpi ne, %convert_element_type3A, %cond3A : i32
      scf.if %cond3A_130 {
        %mul3A_131 = arith.constant 80 : i32
        %mul3A_132 = arith.muli %add3A_128, %mul3A_131 : i32
        %run_scoped3A = arith.constant 0 : i32
        "tpu.region"() ({
          %run_scoped3A_133 = tpu.sem_alloc : memref<!tpu.dma_semaphore, #tpu.memory_space<semaphore_mem>>
          %dma_start3A_134 = arith.constant 0 : i32
          %dma_start3A_135 = arith.constant 0 : i32
          %dma_start3A_136 = tpu.memref_slice %arg6[%run_scoped3A, %dma_start3A_134, %dma_start3A_135] : memref<4x80x128xf32, #tpu.memory_space<vmem>> -> memref<1x80x128xf32, #tpu.memory_space<vmem>>
          %dma_start3A_137 = tpu.memref_squeeze %dma_start3A_136 : memref<1x80x128xf32, #tpu.memory_space<vmem>> -> memref<80x128xf32, #tpu.memory_space<vmem>>
          %dma_start3A_138 = arith.constant 0 : i32
          %dma_start3A_139 = tpu.memref_slice %arg23[%mul3A_132, %dma_start3A_138] : memref<10000x128xf32, #tpu.memory_space<vmem_shared>> -> memref<80x128xf32, #tpu.memory_space<vmem_shared>>
          %dma_start3A_140 = arith.constant 0 : i32
          %dma_start3A_141 = tpu.memref_slice %arg23[%mul3A_132, %dma_start3A_140] : memref<10000x128xf32, #tpu.memory_space<vmem_shared>> -> memref<80x128xf32, #tpu.memory_space<vmem_shared>>
          %dma_start3A_142 = arith.constant 0 : i32
          %dma_start3A_143 = arith.constant 0 : i32
          %dma_start3A_144 = tpu.memref_slice %arg6[%run_scoped3A, %dma_start3A_142, %dma_start3A_143] : memref<4x80x128xf32, #tpu.memory_space<vmem>> -> memref<1x80x128xf32, #tpu.memory_space<vmem>>
          %dma_start3A_145 = tpu.memref_squeeze %dma_start3A_144 : memref<1x80x128xf32, #tpu.memory_space<vmem>> -> memref<80x128xf32, #tpu.memory_space<vmem>>
          tpu.enqueue_dma source(%dma_start3A_145 : memref<80x128xf32, #tpu.memory_space<vmem>>) target(%dma_start3A_141 : memref<80x128xf32, #tpu.memory_space<vmem_shared>>) target_semaphore(%run_scoped3A_133 : memref<!tpu.dma_semaphore, #tpu.memory_space<semaphore_mem>>)
          %dma_wait3A_146 = arith.constant 0 : i32
          %dma_wait3A_147 = arith.constant 0 : i32
          %dma_wait3A_148 = tpu.memref_slice %arg6[%run_scoped3A, %dma_wait3A_146, %dma_wait3A_147] : memref<4x80x128xf32, #tpu.memory_space<vmem>> -> memref<1x80x128xf32, #tpu.memory_space<vmem>>
          %dma_wait3A_149 = tpu.memref_squeeze %dma_wait3A_148 : memref<1x80x128xf32, #tpu.memory_space<vmem>> -> memref<80x128xf32, #tpu.memory_space<vmem>>
          %dma_wait3A_150 = arith.constant 0 : i32
          %dma_wait3A_151 = tpu.memref_slice %arg23[%mul3A_132, %dma_wait3A_150] : memref<10000x128xf32, #tpu.memory_space<vmem_shared>> -> memref<80x128xf32, #tpu.memory_space<vmem_shared>>
          %dma_wait3A_152 = arith.constant 0 : i32
          %dma_wait3A_153 = tpu.memref_slice %arg23[%mul3A_132, %dma_wait3A_152] : memref<10000x128xf32, #tpu.memory_space<vmem_shared>> -> memref<80x128xf32, #tpu.memory_space<vmem_shared>>
          %dma_wait3A_154 = arith.constant 0 : i32
          %dma_wait3A_155 = arith.constant 0 : i32
          %dma_wait3A_156 = tpu.memref_slice %arg6[%run_scoped3A, %dma_wait3A_154, %dma_wait3A_155] : memref<4x80x128xf32, #tpu.memory_space<vmem>> -> memref<1x80x128xf32, #tpu.memory_space<vmem>>
          %dma_wait3A_157 = tpu.memref_squeeze %dma_wait3A_156 : memref<1x80x128xf32, #tpu.memory_space<vmem>> -> memref<80x128xf32, #tpu.memory_space<vmem>>
          tpu.wait_dma2 semaphore(%run_scoped3A_133 : memref<!tpu.dma_semaphore, #tpu.memory_space<semaphore_mem>>) src(%dma_wait3A_157 : memref<80x128xf32, #tpu.memory_space<vmem>>) dst(%dma_wait3A_153 : memref<80x128xf32, #tpu.memory_space<vmem_shared>>)
          tpu.yield
        }) : () -> ()
      } else {
      }
    }
    %scan3A_13 = arith.constant 8 : i32
    %add3A_14 = arith.constant 0 : i32
    %add3A_15 = arith.addi %mul3A_2, %add3A_14 : i32
    %dma_start3A = tpu.memref_slice %arg3[%add3A_15] : memref<320000xi32, #tpu.memory_space<hbm>> -> memref<80xi32, #tpu.memory_space<hbm>>
    %dma_start3A_16 = tpu.memref_slice %arg3[%add3A_15] : memref<320000xi32, #tpu.memory_space<hbm>> -> memref<80xi32, #tpu.memory_space<hbm>>
    tpu.enqueue_dma source(%dma_start3A_16 : memref<80xi32, #tpu.memory_space<hbm>>) target(%arg7 : memref<80xi32, #tpu.memory_space<vmem>>) target_semaphore(%arg24 : memref<!tpu.dma_semaphore, #tpu.memory_space<semaphore_mem>>)
    %add3A_17 = arith.constant 0 : i32
    %add3A_18 = arith.addi %mul3A_2, %add3A_17 : i32
    %dma_start3A_19 = tpu.memref_slice %arg4[%add3A_18] : memref<320000xi32, #tpu.memory_space<hbm>> -> memref<80xi32, #tpu.memory_space<hbm>>
    %dma_start3A_20 = tpu.memref_slice %arg4[%add3A_18] : memref<320000xi32, #tpu.memory_space<hbm>> -> memref<80xi32, #tpu.memory_space<hbm>>
    tpu.enqueue_dma source(%dma_start3A_20 : memref<80xi32, #tpu.memory_space<hbm>>) target(%arg15 : memref<80xi32, #tpu.memory_space<vmem>>) target_semaphore(%arg25 : memref<!tpu.dma_semaphore, #tpu.memory_space<semaphore_mem>>)
    %add3A_21 = arith.constant 80 : i32
    %add3A_22 = arith.addi %mul3A_2, %add3A_21 : i32
    %dma_start3A_23 = tpu.memref_slice %arg3[%add3A_22] : memref<320000xi32, #tpu.memory_space<hbm>> -> memref<80xi32, #tpu.memory_space<hbm>>
    %dma_start3A_24 = tpu.memref_slice %arg3[%add3A_22] : memref<320000xi32, #tpu.memory_space<hbm>> -> memref<80xi32, #tpu.memory_space<hbm>>
    tpu.enqueue_dma source(%dma_start3A_24 : memref<80xi32, #tpu.memory_space<hbm>>) target(%arg8 : memref<80xi32, #tpu.memory_space<vmem>>) target_semaphore(%arg24 : memref<!tpu.dma_semaphore, #tpu.memory_space<semaphore_mem>>)
    %add3A_25 = arith.constant 80 : i32
    %add3A_26 = arith.addi %mul3A_2, %add3A_25 : i32
    %dma_start3A_27 = tpu.memref_slice %arg4[%add3A_26] : memref<320000xi32, #tpu.memory_space<hbm>> -> memref<80xi32, #tpu.memory_space<hbm>>
    %dma_start3A_28 = tpu.memref_slice %arg4[%add3A_26] : memref<320000xi32, #tpu.memory_space<hbm>> -> memref<80xi32, #tpu.memory_space<hbm>>
    tpu.enqueue_dma source(%dma_start3A_28 : memref<80xi32, #tpu.memory_space<hbm>>) target(%arg16 : memref<80xi32, #tpu.memory_space<vmem>>) target_semaphore(%arg25 : memref<!tpu.dma_semaphore, #tpu.memory_space<semaphore_mem>>)
    %add3A_29 = arith.constant 160 : i32
    %add3A_30 = arith.addi %mul3A_2, %add3A_29 : i32
    %dma_start3A_31 = tpu.memref_slice %arg3[%add3A_30] : memref<320000xi32, #tpu.memory_space<hbm>> -> memref<80xi32, #tpu.memory_space<hbm>>
    %dma_start3A_32 = tpu.memref_slice %arg3[%add3A_30] : memref<320000xi32, #tpu.memory_space<hbm>> -> memref<80xi32, #tpu.memory_space<hbm>>
    tpu.enqueue_dma source(%dma_start3A_32 : memref<80xi32, #tpu.memory_space<hbm>>) target(%arg9 : memref<80xi32, #tpu.memory_space<vmem>>) target_semaphore(%arg24 : memref<!tpu.dma_semaphore, #tpu.memory_space<semaphore_mem>>)
    %add3A_33 = arith.constant 160 : i32
    %add3A_34 = arith.addi %mul3A_2, %add3A_33 : i32
    %dma_start3A_35 = tpu.memref_slice %arg4[%add3A_34] : memref<320000xi32, #tpu.memory_space<hbm>> -> memref<80xi32, #tpu.memory_space<hbm>>
    %dma_start3A_36 = tpu.memref_slice %arg4[%add3A_34] : memref<320000xi32, #tpu.memory_space<hbm>> -> memref<80xi32, #tpu.memory_space<hbm>>
    tpu.enqueue_dma source(%dma_start3A_36 : memref<80xi32, #tpu.memory_space<hbm>>) target(%arg17 : memref<80xi32, #tpu.memory_space<vmem>>) target_semaphore(%arg25 : memref<!tpu.dma_semaphore, #tpu.memory_space<semaphore_mem>>)
    %add3A_37 = arith.constant 240 : i32
    %add3A_38 = arith.addi %mul3A_2, %add3A_37 : i32
    %dma_start3A_39 = tpu.memref_slice %arg3[%add3A_38] : memref<320000xi32, #tpu.memory_space<hbm>> -> memref<80xi32, #tpu.memory_space<hbm>>
    %dma_start3A_40 = tpu.memref_slice %arg3[%add3A_38] : memref<320000xi32, #tpu.memory_space<hbm>> -> memref<80xi32, #tpu.memory_space<hbm>>
    tpu.enqueue_dma source(%dma_start3A_40 : memref<80xi32, #tpu.memory_space<hbm>>) target(%arg10 : memref<80xi32, #tpu.memory_space<vmem>>) target_semaphore(%arg24 : memref<!tpu.dma_semaphore, #tpu.memory_space<semaphore_mem>>)
    %add3A_41 = arith.constant 240 : i32
    %add3A_42 = arith.addi %mul3A_2, %add3A_41 : i32
    %dma_start3A_43 = tpu.memref_slice %arg4[%add3A_42] : memref<320000xi32, #tpu.memory_space<hbm>> -> memref<80xi32, #tpu.memory_space<hbm>>
    %dma_start3A_44 = tpu.memref_slice %arg4[%add3A_42] : memref<320000xi32, #tpu.memory_space<hbm>> -> memref<80xi32, #tpu.memory_space<hbm>>
    tpu.enqueue_dma source(%dma_start3A_44 : memref<80xi32, #tpu.memory_space<hbm>>) target(%arg18 : memref<80xi32, #tpu.memory_space<vmem>>) target_semaphore(%arg25 : memref<!tpu.dma_semaphore, #tpu.memory_space<semaphore_mem>>)
    %add3A_45 = arith.constant 320 : i32
    %add3A_46 = arith.addi %mul3A_2, %add3A_45 : i32
    %dma_start3A_47 = tpu.memref_slice %arg3[%add3A_46] : memref<320000xi32, #tpu.memory_space<hbm>> -> memref<80xi32, #tpu.memory_space<hbm>>
    %dma_start3A_48 = tpu.memref_slice %arg3[%add3A_46] : memref<320000xi32, #tpu.memory_space<hbm>> -> memref<80xi32, #tpu.memory_space<hbm>>
    tpu.enqueue_dma source(%dma_start3A_48 : memref<80xi32, #tpu.memory_space<hbm>>) target(%arg11 : memref<80xi32, #tpu.memory_space<vmem>>) target_semaphore(%arg24 : memref<!tpu.dma_semaphore, #tpu.memory_space<semaphore_mem>>)
    %add3A_49 = arith.constant 320 : i32
    %add3A_50 = arith.addi %mul3A_2, %add3A_49 : i32
    %dma_start3A_51 = tpu.memref_slice %arg4[%add3A_50] : memref<320000xi32, #tpu.memory_space<hbm>> -> memref<80xi32, #tpu.memory_space<hbm>>
    %dma_start3A_52 = tpu.memref_slice %arg4[%add3A_50] : memref<320000xi32, #tpu.memory_space<hbm>> -> memref<80xi32, #tpu.memory_space<hbm>>
    tpu.enqueue_dma source(%dma_start3A_52 : memref<80xi32, #tpu.memory_space<hbm>>) target(%arg19 : memref<80xi32, #tpu.memory_space<vmem>>) target_semaphore(%arg25 : memref<!tpu.dma_semaphore, #tpu.memory_space<semaphore_mem>>)
    %add3A_53 = arith.constant 400 : i32
    %add3A_54 = arith.addi %mul3A_2, %add3A_53 : i32
    %dma_start3A_55 = tpu.memref_slice %arg3[%add3A_54] : memref<320000xi32, #tpu.memory_space<hbm>> -> memref<80xi32, #tpu.memory_space<hbm>>
    %dma_start3A_56 = tpu.memref_slice %arg3[%add3A_54] : memref<320000xi32, #tpu.memory_space<hbm>> -> memref<80xi32, #tpu.memory_space<hbm>>
    tpu.enqueue_dma source(%dma_start3A_56 : memref<80xi32, #tpu.memory_space<hbm>>) target(%arg12 : memref<80xi32, #tpu.memory_space<vmem>>) target_semaphore(%arg24 : memref<!tpu.dma_semaphore, #tpu.memory_space<semaphore_mem>>)
    %add3A_57 = arith.constant 400 : i32
    %add3A_58 = arith.addi %mul3A_2, %add3A_57 : i32
    %dma_start3A_59 = tpu.memref_slice %arg4[%add3A_58] : memref<320000xi32, #tpu.memory_space<hbm>> -> memref<80xi32, #tpu.memory_space<hbm>>
    %dma_start3A_60 = tpu.memref_slice %arg4[%add3A_58] : memref<320000xi32, #tpu.memory_space<hbm>> -> memref<80xi32, #tpu.memory_space<hbm>>
    tpu.enqueue_dma source(%dma_start3A_60 : memref<80xi32, #tpu.memory_space<hbm>>) target(%arg20 : memref<80xi32, #tpu.memory_space<vmem>>) target_semaphore(%arg25 : memref<!tpu.dma_semaphore, #tpu.memory_space<semaphore_mem>>)
    %add3A_61 = arith.constant 480 : i32
    %add3A_62 = arith.addi %mul3A_2, %add3A_61 : i32
    %dma_start3A_63 = tpu.memref_slice %arg3[%add3A_62] : memref<320000xi32, #tpu.memory_space<hbm>> -> memref<80xi32, #tpu.memory_space<hbm>>
    %dma_start3A_64 = tpu.memref_slice %arg3[%add3A_62] : memref<320000xi32, #tpu.memory_space<hbm>> -> memref<80xi32, #tpu.memory_space<hbm>>
    tpu.enqueue_dma source(%dma_start3A_64 : memref<80xi32, #tpu.memory_space<hbm>>) target(%arg13 : memref<80xi32, #tpu.memory_space<vmem>>) target_semaphore(%arg24 : memref<!tpu.dma_semaphore, #tpu.memory_space<semaphore_mem>>)
    %add3A_65 = arith.constant 480 : i32
    %add3A_66 = arith.addi %mul3A_2, %add3A_65 : i32
    %dma_start3A_67 = tpu.memref_slice %arg4[%add3A_66] : memref<320000xi32, #tpu.memory_space<hbm>> -> memref<80xi32, #tpu.memory_space<hbm>>
    %dma_start3A_68 = tpu.memref_slice %arg4[%add3A_66] : memref<320000xi32, #tpu.memory_space<hbm>> -> memref<80xi32, #tpu.memory_space<hbm>>
    tpu.enqueue_dma source(%dma_start3A_68 : memref<80xi32, #tpu.memory_space<hbm>>) target(%arg21 : memref<80xi32, #tpu.memory_space<vmem>>) target_semaphore(%arg25 : memref<!tpu.dma_semaphore, #tpu.memory_space<semaphore_mem>>)
    %dma_wait3A = arith.constant 0 : i32
    %dma_wait3A_69 = tpu.memref_slice %arg3[%dma_wait3A] : memref<320000xi32, #tpu.memory_space<hbm>> -> memref<80xi32, #tpu.memory_space<hbm>>
    %dma_wait3A_70 = arith.constant 0 : i32
    %dma_wait3A_71 = tpu.memref_slice %arg3[%dma_wait3A_70] : memref<320000xi32, #tpu.memory_space<hbm>> -> memref<80xi32, #tpu.memory_space<hbm>>
    tpu.wait_dma2 semaphore(%arg24 : memref<!tpu.dma_semaphore, #tpu.memory_space<semaphore_mem>>) src(%dma_wait3A_71 : memref<80xi32, #tpu.memory_space<hbm>>) dst(%arg7 : memref<80xi32, #tpu.memory_space<vmem>>)
    %dma_start3A_72 = arith.constant 0 : i32
    %dma_start3A_73 = arith.constant 0 : i32
    %dma_start3A_74 = arith.constant 0 : i32
    %dma_start3A_75 = tpu.memref_slice %arg6[%dma_start3A_72, %dma_start3A_73, %dma_start3A_74] : memref<4x80x128xf32, #tpu.memory_space<vmem>> -> memref<1x80x128xf32, #tpu.memory_space<vmem>>
    %dma_start3A_76 = tpu.memref_squeeze %dma_start3A_75 : memref<1x80x128xf32, #tpu.memory_space<vmem>> -> memref<80x128xf32, #tpu.memory_space<vmem>>
    %dma_start3A_77 = arith.constant 0 : i32
    %dma_start3A_78 = arith.constant 0 : i32
    %dma_start3A_79 = tpu.memref_slice %arg2[%dma_start3A_77, %dma_start3A_78] : memref<10000x128xf32, #tpu.memory_space<hbm>> -> memref<10000x128xf32, #tpu.memory_space<hbm>>
    tpu.enqueue_indirect_dma source(%dma_start3A_79 : memref<10000x128xf32, #tpu.memory_space<hbm>>) target(%dma_start3A_76 : memref<80x128xf32, #tpu.memory_space<vmem>>) offsets(%arg7 : memref<80xi32, #tpu.memory_space<vmem>>) semaphore(%arg26 : memref<!tpu.dma_semaphore, #tpu.memory_space<semaphore_mem>>)
    %dma_wait3A_80 = arith.constant 0 : i32
    %dma_wait3A_81 = tpu.memref_slice %arg3[%dma_wait3A_80] : memref<320000xi32, #tpu.memory_space<hbm>> -> memref<80xi32, #tpu.memory_space<hbm>>
    %dma_wait3A_82 = arith.constant 0 : i32
    %dma_wait3A_83 = tpu.memref_slice %arg3[%dma_wait3A_82] : memref<320000xi32, #tpu.memory_space<hbm>> -> memref<80xi32, #tpu.memory_space<hbm>>
    tpu.wait_dma2 semaphore(%arg24 : memref<!tpu.dma_semaphore, #tpu.memory_space<semaphore_mem>>) src(%dma_wait3A_83 : memref<80xi32, #tpu.memory_space<hbm>>) dst(%arg8 : memref<80xi32, #tpu.memory_space<vmem>>)
    %dma_start3A_84 = arith.constant 1 : i32
    %dma_start3A_85 = arith.constant 0 : i32
    %dma_start3A_86 = arith.constant 0 : i32
    %dma_start3A_87 = tpu.memref_slice %arg6[%dma_start3A_84, %dma_start3A_85, %dma_start3A_86] : memref<4x80x128xf32, #tpu.memory_space<vmem>> -> memref<1x80x128xf32, #tpu.memory_space<vmem>>
    %dma_start3A_88 = tpu.memref_squeeze %dma_start3A_87 : memref<1x80x128xf32, #tpu.memory_space<vmem>> -> memref<80x128xf32, #tpu.memory_space<vmem>>
    %dma_start3A_89 = arith.constant 0 : i32
    %dma_start3A_90 = arith.constant 0 : i32
    %dma_start3A_91 = tpu.memref_slice %arg2[%dma_start3A_89, %dma_start3A_90] : memref<10000x128xf32, #tpu.memory_space<hbm>> -> memref<10000x128xf32, #tpu.memory_space<hbm>>
    tpu.enqueue_indirect_dma source(%dma_start3A_91 : memref<10000x128xf32, #tpu.memory_space<hbm>>) target(%dma_start3A_88 : memref<80x128xf32, #tpu.memory_space<vmem>>) offsets(%arg8 : memref<80xi32, #tpu.memory_space<vmem>>) semaphore(%arg27 : memref<!tpu.dma_semaphore, #tpu.memory_space<semaphore_mem>>)
    %dma_wait3A_92 = arith.constant 0 : i32
    %dma_wait3A_93 = tpu.memref_slice %arg3[%dma_wait3A_92] : memref<320000xi32, #tpu.memory_space<hbm>> -> memref<80xi32, #tpu.memory_space<hbm>>
    %dma_wait3A_94 = arith.constant 0 : i32
    %dma_wait3A_95 = tpu.memref_slice %arg3[%dma_wait3A_94] : memref<320000xi32, #tpu.memory_space<hbm>> -> memref<80xi32, #tpu.memory_space<hbm>>
    tpu.wait_dma2 semaphore(%arg24 : memref<!tpu.dma_semaphore, #tpu.memory_space<semaphore_mem>>) src(%dma_wait3A_95 : memref<80xi32, #tpu.memory_space<hbm>>) dst(%arg9 : memref<80xi32, #tpu.memory_space<vmem>>)
    %dma_start3A_96 = arith.constant 2 : i32
    %dma_start3A_97 = arith.constant 0 : i32
    %dma_start3A_98 = arith.constant 0 : i32
    %dma_start3A_99 = tpu.memref_slice %arg6[%dma_start3A_96, %dma_start3A_97, %dma_start3A_98] : memref<4x80x128xf32, #tpu.memory_space<vmem>> -> memref<1x80x128xf32, #tpu.memory_space<vmem>>
    %dma_start3A_100 = tpu.memref_squeeze %dma_start3A_99 : memref<1x80x128xf32, #tpu.memory_space<vmem>> -> memref<80x128xf32, #tpu.memory_space<vmem>>
    %dma_start3A_101 = arith.constant 0 : i32
    %dma_start3A_102 = arith.constant 0 : i32
    %dma_start3A_103 = tpu.memref_slice %arg2[%dma_start3A_101, %dma_start3A_102] : memref<10000x128xf32, #tpu.memory_space<hbm>> -> memref<10000x128xf32, #tpu.memory_space<hbm>>
    tpu.enqueue_indirect_dma source(%dma_start3A_103 : memref<10000x128xf32, #tpu.memory_space<hbm>>) target(%dma_start3A_100 : memref<80x128xf32, #tpu.memory_space<vmem>>) offsets(%arg9 : memref<80xi32, #tpu.memory_space<vmem>>) semaphore(%arg26 : memref<!tpu.dma_semaphore, #tpu.memory_space<semaphore_mem>>)
    %barrier3A = arith.constant 0 : index
    tpu.barrier barrier_id(%barrier3A)
    %scan3A_104 = arith.constant 0 : i32
    %scan3A_105 = arith.constant 0 : i32
    %scan3A_106 = arith.constant 16 : i32
    %scan3A_107 = arith.addi %scan3A_105, %scan3A_106 : i32
    %scan3A_108 = arith.constant 1 : i32
    scf.for %scan3A_125 = %scan3A_105 to %scan3A_107 step %scan3A_108  : i32 {
      %mul3A_126 = arith.constant 8 : i32
      %mul3A_127 = arith.muli %scan3A_125, %mul3A_126 : i32
      %add3A_128 = arith.constant 0 : i32
      %add3A_129 = arith.addi %mul3A_127, %add3A_128 : i32
      %lt3A = arith.constant 125 : i32
      %lt3A_130 = arith.cmpi slt, %add3A_129, %lt3A : i32
      %convert_element_type3A = arith.extui %lt3A_130 : i1 to i32
      %cond3A = arith.constant 0 : i32
      %cond3A_131 = arith.cmpi ne, %convert_element_type3A, %cond3A : i32
      scf.if %cond3A_131 {
        %dma_wait3A_195 = arith.constant 0 : i32
        %dma_wait3A_196 = arith.constant 0 : i32
        %dma_wait3A_197 = arith.constant 0 : i32
        %dma_wait3A_198 = tpu.memref_slice %arg6[%dma_wait3A_195, %dma_wait3A_196, %dma_wait3A_197] : memref<4x80x128xf32, #tpu.memory_space<vmem>> -> memref<1x80x128xf32, #tpu.memory_space<vmem>>
        %dma_wait3A_199 = tpu.memref_squeeze %dma_wait3A_198 : memref<1x80x128xf32, #tpu.memory_space<vmem>> -> memref<80x128xf32, #tpu.memory_space<vmem>>
        %dma_wait3A_200 = arith.constant 0 : i32
        %dma_wait3A_201 = arith.constant 0 : i32
        %dma_wait3A_202 = tpu.memref_slice %arg2[%dma_wait3A_200, %dma_wait3A_201] : memref<10000x128xf32, #tpu.memory_space<hbm>> -> memref<10000x128xf32, #tpu.memory_space<hbm>>
        tpu.wait_indirect_dma semaphore(%arg26 : memref<!tpu.dma_semaphore, #tpu.memory_space<semaphore_mem>>) src(%dma_wait3A_202 : memref<10000x128xf32, #tpu.memory_space<hbm>>) dst(%dma_wait3A_199 : memref<80x128xf32, #tpu.memory_space<vmem>>)
        %dma_wait3A_203 = arith.constant 0 : i32
        %dma_wait3A_204 = tpu.memref_slice %arg4[%dma_wait3A_203] : memref<320000xi32, #tpu.memory_space<hbm>> -> memref<80xi32, #tpu.memory_space<hbm>>
        %dma_wait3A_205 = arith.constant 0 : i32
        %dma_wait3A_206 = tpu.memref_slice %arg4[%dma_wait3A_205] : memref<320000xi32, #tpu.memory_space<hbm>> -> memref<80xi32, #tpu.memory_space<hbm>>
        tpu.wait_dma2 semaphore(%arg25 : memref<!tpu.dma_semaphore, #tpu.memory_space<semaphore_mem>>) src(%dma_wait3A_206 : memref<80xi32, #tpu.memory_space<hbm>>) dst(%arg15 : memref<80xi32, #tpu.memory_space<vmem>>)
        %dma_start3A_207 = arith.constant 0 : i32
        %dma_start3A_208 = arith.constant 0 : i32
        %dma_start3A_209 = arith.constant 0 : i32
        %dma_start3A_210 = tpu.memref_slice %arg6[%dma_start3A_207, %dma_start3A_208, %dma_start3A_209] : memref<4x80x128xf32, #tpu.memory_space<vmem>> -> memref<1x80x128xf32, #tpu.memory_space<vmem>>
        %dma_start3A_211 = tpu.memref_squeeze %dma_start3A_210 : memref<1x80x128xf32, #tpu.memory_space<vmem>> -> memref<80x128xf32, #tpu.memory_space<vmem>>
        %dma_start3A_212 = arith.constant 0 : i32
        %dma_start3A_213 = arith.constant 0 : i32
        %dma_start3A_214 = tpu.memref_slice %arg23[%dma_start3A_212, %dma_start3A_213] : memref<10000x128xf32, #tpu.memory_space<vmem_shared>> -> memref<10000x128xf32, #tpu.memory_space<vmem_shared>>
        tpu.enqueue_indirect_dma source(%dma_start3A_211 : memref<80x128xf32, #tpu.memory_space<vmem>>) target(%dma_start3A_214 : memref<10000x128xf32, #tpu.memory_space<vmem_shared>>) offsets(%arg15 : memref<80xi32, #tpu.memory_space<vmem>>) semaphore(%arg28 : memref<!tpu.dma_semaphore, #tpu.memory_space<semaphore_mem>>) {add = true}
        %gt3A = arith.constant 0 : i32
        %gt3A_215 = arith.cmpi sgt, %add3A_129, %gt3A : i32
        %convert_element_type3A_216 = arith.extui %gt3A_215 : i1 to i32
        %cond3A_217 = arith.constant 0 : i32
        %cond3A_218 = arith.cmpi ne, %convert_element_type3A_216, %cond3A_217 : i32
        scf.if %cond3A_218 {
          %dma_wait3A_233 = arith.constant 0 : i32
          %dma_wait3A_234 = arith.constant 0 : i32
          %dma_wait3A_235 = arith.constant 0 : i32
          %dma_wait3A_236 = tpu.memref_slice %arg6[%dma_wait3A_233, %dma_wait3A_234, %dma_wait3A_235] : memref<4x80x128xf32, #tpu.memory_space<vmem>> -> memref<1x80x128xf32, #tpu.memory_space<vmem>>
          %dma_wait3A_237 = tpu.memref_squeeze %dma_wait3A_236 : memref<1x80x128xf32, #tpu.memory_space<vmem>> -> memref<80x128xf32, #tpu.memory_space<vmem>>
          %dma_wait3A_238 = arith.constant 0 : i32
          %dma_wait3A_239 = arith.constant 0 : i32
          %dma_wait3A_240 = tpu.memref_slice %arg23[%dma_wait3A_238, %dma_wait3A_239] : memref<10000x128xf32, #tpu.memory_space<vmem_shared>> -> memref<10000x128xf32, #tpu.memory_space<vmem_shared>>
          tpu.wait_indirect_dma semaphore(%arg28 : memref<!tpu.dma_semaphore, #tpu.memory_space<semaphore_mem>>) src(%dma_wait3A_237 : memref<80x128xf32, #tpu.memory_space<vmem>>) dst(%dma_wait3A_240 : memref<10000x128xf32, #tpu.memory_space<vmem_shared>>)
        } else {
        }
        %add3A_219 = arith.constant 7 : i32
        %add3A_220 = arith.addi %add3A_129, %add3A_219 : i32
        %lt3A_221 = arith.constant 125 : i32
        %lt3A_222 = arith.cmpi slt, %add3A_220, %lt3A_221 : i32
        %convert_element_type3A_223 = arith.extui %lt3A_222 : i1 to i32
        %cond3A_224 = arith.constant 0 : i32
        %cond3A_225 = arith.cmpi ne, %convert_element_type3A_223, %cond3A_224 : i32
        scf.if %cond3A_225 {
          %add3A_233 = arith.constant 7 : i32
          %add3A_234 = arith.addi %add3A_129, %add3A_233 : i32
          %mul3A_235 = arith.constant 80 : i32
          %mul3A_236 = arith.muli %add3A_234, %mul3A_235 : i32
          %add3A_237 = arith.addi %mul3A_2, %mul3A_236 : i32
          %dma_start3A_238 = tpu.memref_slice %arg3[%add3A_237] : memref<320000xi32, #tpu.memory_space<hbm>> -> memref<80xi32, #tpu.memory_space<hbm>>
          %dma_start3A_239 = tpu.memref_slice %arg3[%add3A_237] : memref<320000xi32, #tpu.memory_space<hbm>> -> memref<80xi32, #tpu.memory_space<hbm>>
          tpu.enqueue_dma source(%dma_start3A_239 : memref<80xi32, #tpu.memory_space<hbm>>) target(%arg14 : memref<80xi32, #tpu.memory_space<vmem>>) target_semaphore(%arg24 : memref<!tpu.dma_semaphore, #tpu.memory_space<semaphore_mem>>)
          %dma_start3A_240 = tpu.memref_slice %arg4[%add3A_237] : memref<320000xi32, #tpu.memory_space<hbm>> -> memref<80xi32, #tpu.memory_space<hbm>>
          %dma_start3A_241 = tpu.memref_slice %arg4[%add3A_237] : memref<320000xi32, #tpu.memory_space<hbm>> -> memref<80xi32, #tpu.memory_space<hbm>>
          tpu.enqueue_dma source(%dma_start3A_241 : memref<80xi32, #tpu.memory_space<hbm>>) target(%arg22 : memref<80xi32, #tpu.memory_space<vmem>>) target_semaphore(%arg25 : memref<!tpu.dma_semaphore, #tpu.memory_space<semaphore_mem>>)
        } else {
        }
        %add3A_226 = arith.constant 3 : i32
        %add3A_227 = arith.addi %add3A_129, %add3A_226 : i32
        %lt3A_228 = arith.constant 125 : i32
        %lt3A_229 = arith.cmpi slt, %add3A_227, %lt3A_228 : i32
        %convert_element_type3A_230 = arith.extui %lt3A_229 : i1 to i32
        %cond3A_231 = arith.constant 0 : i32
        %cond3A_232 = arith.cmpi ne, %convert_element_type3A_230, %cond3A_231 : i32
        scf.if %cond3A_232 {
          %dma_wait3A_233 = arith.constant 0 : i32
          %dma_wait3A_234 = tpu.memref_slice %arg3[%dma_wait3A_233] : memref<320000xi32, #tpu.memory_space<hbm>> -> memref<80xi32, #tpu.memory_space<hbm>>
          %dma_wait3A_235 = arith.constant 0 : i32
          %dma_wait3A_236 = tpu.memref_slice %arg3[%dma_wait3A_235] : memref<320000xi32, #tpu.memory_space<hbm>> -> memref<80xi32, #tpu.memory_space<hbm>>
          tpu.wait_dma2 semaphore(%arg24 : memref<!tpu.dma_semaphore, #tpu.memory_space<semaphore_mem>>) src(%dma_wait3A_236 : memref<80xi32, #tpu.memory_space<hbm>>) dst(%arg10 : memref<80xi32, #tpu.memory_space<vmem>>)
          %dma_start3A_237 = arith.constant 3 : i32
          %dma_start3A_238 = arith.constant 0 : i32
          %dma_start3A_239 = arith.constant 0 : i32
          %dma_start3A_240 = tpu.memref_slice %arg6[%dma_start3A_237, %dma_start3A_238, %dma_start3A_239] : memref<4x80x128xf32, #tpu.memory_space<vmem>> -> memref<1x80x128xf32, #tpu.memory_space<vmem>>
          %dma_start3A_241 = tpu.memref_squeeze %dma_start3A_240 : memref<1x80x128xf32, #tpu.memory_space<vmem>> -> memref<80x128xf32, #tpu.memory_space<vmem>>
          %dma_start3A_242 = arith.constant 0 : i32
          %dma_start3A_243 = arith.constant 0 : i32
          %dma_start3A_244 = tpu.memref_slice %arg2[%dma_start3A_242, %dma_start3A_243] : memref<10000x128xf32, #tpu.memory_space<hbm>> -> memref<10000x128xf32, #tpu.memory_space<hbm>>
          tpu.enqueue_indirect_dma source(%dma_start3A_244 : memref<10000x128xf32, #tpu.memory_space<hbm>>) target(%dma_start3A_241 : memref<80x128xf32, #tpu.memory_space<vmem>>) offsets(%arg10 : memref<80xi32, #tpu.memory_space<vmem>>) semaphore(%arg27 : memref<!tpu.dma_semaphore, #tpu.memory_space<semaphore_mem>>)
        } else {
        }
      } else {
      }
      %mul3A_132 = arith.constant 8 : i32
      %mul3A_133 = arith.muli %scan3A_125, %mul3A_132 : i32
      %add3A_134 = arith.constant 1 : i32
      %add3A_135 = arith.addi %mul3A_133, %add3A_134 : i32
      %lt3A_136 = arith.constant 125 : i32
      %lt3A_137 = arith.cmpi slt, %add3A_135, %lt3A_136 : i32
      %convert_element_type3A_138 = arith.extui %lt3A_137 : i1 to i32
      %cond3A_139 = arith.constant 0 : i32
      %cond3A_140 = arith.cmpi ne, %convert_element_type3A_138, %cond3A_139 : i32
      scf.if %cond3A_140 {
        %dma_wait3A_195 = arith.constant 1 : i32
        %dma_wait3A_196 = arith.constant 0 : i32
        %dma_wait3A_197 = arith.constant 0 : i32
        %dma_wait3A_198 = tpu.memref_slice %arg6[%dma_wait3A_195, %dma_wait3A_196, %dma_wait3A_197] : memref<4x80x128xf32, #tpu.memory_space<vmem>> -> memref<1x80x128xf32, #tpu.memory_space<vmem>>
        %dma_wait3A_199 = tpu.memref_squeeze %dma_wait3A_198 : memref<1x80x128xf32, #tpu.memory_space<vmem>> -> memref<80x128xf32, #tpu.memory_space<vmem>>
        %dma_wait3A_200 = arith.constant 0 : i32
        %dma_wait3A_201 = arith.constant 0 : i32
        %dma_wait3A_202 = tpu.memref_slice %arg2[%dma_wait3A_200, %dma_wait3A_201] : memref<10000x128xf32, #tpu.memory_space<hbm>> -> memref<10000x128xf32, #tpu.memory_space<hbm>>
        tpu.wait_indirect_dma semaphore(%arg27 : memref<!tpu.dma_semaphore, #tpu.memory_space<semaphore_mem>>) src(%dma_wait3A_202 : memref<10000x128xf32, #tpu.memory_space<hbm>>) dst(%dma_wait3A_199 : memref<80x128xf32, #tpu.memory_space<vmem>>)
        %dma_wait3A_203 = arith.constant 0 : i32
        %dma_wait3A_204 = tpu.memref_slice %arg4[%dma_wait3A_203] : memref<320000xi32, #tpu.memory_space<hbm>> -> memref<80xi32, #tpu.memory_space<hbm>>
        %dma_wait3A_205 = arith.constant 0 : i32
        %dma_wait3A_206 = tpu.memref_slice %arg4[%dma_wait3A_205] : memref<320000xi32, #tpu.memory_space<hbm>> -> memref<80xi32, #tpu.memory_space<hbm>>
        tpu.wait_dma2 semaphore(%arg25 : memref<!tpu.dma_semaphore, #tpu.memory_space<semaphore_mem>>) src(%dma_wait3A_206 : memref<80xi32, #tpu.memory_space<hbm>>) dst(%arg16 : memref<80xi32, #tpu.memory_space<vmem>>)
        %dma_start3A_207 = arith.constant 1 : i32
        %dma_start3A_208 = arith.constant 0 : i32
        %dma_start3A_209 = arith.constant 0 : i32
        %dma_start3A_210 = tpu.memref_slice %arg6[%dma_start3A_207, %dma_start3A_208, %dma_start3A_209] : memref<4x80x128xf32, #tpu.memory_space<vmem>> -> memref<1x80x128xf32, #tpu.memory_space<vmem>>
        %dma_start3A_211 = tpu.memref_squeeze %dma_start3A_210 : memref<1x80x128xf32, #tpu.memory_space<vmem>> -> memref<80x128xf32, #tpu.memory_space<vmem>>
        %dma_start3A_212 = arith.constant 0 : i32
        %dma_start3A_213 = arith.constant 0 : i32
        %dma_start3A_214 = tpu.memref_slice %arg23[%dma_start3A_212, %dma_start3A_213] : memref<10000x128xf32, #tpu.memory_space<vmem_shared>> -> memref<10000x128xf32, #tpu.memory_space<vmem_shared>>
        tpu.enqueue_indirect_dma source(%dma_start3A_211 : memref<80x128xf32, #tpu.memory_space<vmem>>) target(%dma_start3A_214 : memref<10000x128xf32, #tpu.memory_space<vmem_shared>>) offsets(%arg16 : memref<80xi32, #tpu.memory_space<vmem>>) semaphore(%arg28 : memref<!tpu.dma_semaphore, #tpu.memory_space<semaphore_mem>>) {add = true}
        %gt3A = arith.constant 0 : i32
        %gt3A_215 = arith.cmpi sgt, %add3A_135, %gt3A : i32
        %convert_element_type3A_216 = arith.extui %gt3A_215 : i1 to i32
        %cond3A_217 = arith.constant 0 : i32
        %cond3A_218 = arith.cmpi ne, %convert_element_type3A_216, %cond3A_217 : i32
        scf.if %cond3A_218 {
          %dma_wait3A_233 = arith.constant 0 : i32
          %dma_wait3A_234 = arith.constant 0 : i32
          %dma_wait3A_235 = arith.constant 0 : i32
          %dma_wait3A_236 = tpu.memref_slice %arg6[%dma_wait3A_233, %dma_wait3A_234, %dma_wait3A_235] : memref<4x80x128xf32, #tpu.memory_space<vmem>> -> memref<1x80x128xf32, #tpu.memory_space<vmem>>
          %dma_wait3A_237 = tpu.memref_squeeze %dma_wait3A_236 : memref<1x80x128xf32, #tpu.memory_space<vmem>> -> memref<80x128xf32, #tpu.memory_space<vmem>>
          %dma_wait3A_238 = arith.constant 0 : i32
          %dma_wait3A_239 = arith.constant 0 : i32
          %dma_wait3A_240 = tpu.memref_slice %arg23[%dma_wait3A_238, %dma_wait3A_239] : memref<10000x128xf32, #tpu.memory_space<vmem_shared>> -> memref<10000x128xf32, #tpu.memory_space<vmem_shared>>
          tpu.wait_indirect_dma semaphore(%arg28 : memref<!tpu.dma_semaphore, #tpu.memory_space<semaphore_mem>>) src(%dma_wait3A_237 : memref<80x128xf32, #tpu.memory_space<vmem>>) dst(%dma_wait3A_240 : memref<10000x128xf32, #tpu.memory_space<vmem_shared>>)
        } else {
        }
        %add3A_219 = arith.constant 7 : i32
        %add3A_220 = arith.addi %add3A_135, %add3A_219 : i32
        %lt3A_221 = arith.constant 125 : i32
        %lt3A_222 = arith.cmpi slt, %add3A_220, %lt3A_221 : i32
        %convert_element_type3A_223 = arith.extui %lt3A_222 : i1 to i32
        %cond3A_224 = arith.constant 0 : i32
        %cond3A_225 = arith.cmpi ne, %convert_element_type3A_223, %cond3A_224 : i32
        scf.if %cond3A_225 {
          %add3A_233 = arith.constant 7 : i32
          %add3A_234 = arith.addi %add3A_135, %add3A_233 : i32
          %mul3A_235 = arith.constant 80 : i32
          %mul3A_236 = arith.muli %add3A_234, %mul3A_235 : i32
          %add3A_237 = arith.addi %mul3A_2, %mul3A_236 : i32
          %dma_start3A_238 = tpu.memref_slice %arg3[%add3A_237] : memref<320000xi32, #tpu.memory_space<hbm>> -> memref<80xi32, #tpu.memory_space<hbm>>
          %dma_start3A_239 = tpu.memref_slice %arg3[%add3A_237] : memref<320000xi32, #tpu.memory_space<hbm>> -> memref<80xi32, #tpu.memory_space<hbm>>
          tpu.enqueue_dma source(%dma_start3A_239 : memref<80xi32, #tpu.memory_space<hbm>>) target(%arg7 : memref<80xi32, #tpu.memory_space<vmem>>) target_semaphore(%arg24 : memref<!tpu.dma_semaphore, #tpu.memory_space<semaphore_mem>>)
          %dma_start3A_240 = tpu.memref_slice %arg4[%add3A_237] : memref<320000xi32, #tpu.memory_space<hbm>> -> memref<80xi32, #tpu.memory_space<hbm>>
          %dma_start3A_241 = tpu.memref_slice %arg4[%add3A_237] : memref<320000xi32, #tpu.memory_space<hbm>> -> memref<80xi32, #tpu.memory_space<hbm>>
          tpu.enqueue_dma source(%dma_start3A_241 : memref<80xi32, #tpu.memory_space<hbm>>) target(%arg15 : memref<80xi32, #tpu.memory_space<vmem>>) target_semaphore(%arg25 : memref<!tpu.dma_semaphore, #tpu.memory_space<semaphore_mem>>)
        } else {
        }
        %add3A_226 = arith.constant 3 : i32
        %add3A_227 = arith.addi %add3A_135, %add3A_226 : i32
        %lt3A_228 = arith.constant 125 : i32
        %lt3A_229 = arith.cmpi slt, %add3A_227, %lt3A_228 : i32
        %convert_element_type3A_230 = arith.extui %lt3A_229 : i1 to i32
        %cond3A_231 = arith.constant 0 : i32
        %cond3A_232 = arith.cmpi ne, %convert_element_type3A_230, %cond3A_231 : i32
        scf.if %cond3A_232 {
          %dma_wait3A_233 = arith.constant 0 : i32
          %dma_wait3A_234 = tpu.memref_slice %arg3[%dma_wait3A_233] : memref<320000xi32, #tpu.memory_space<hbm>> -> memref<80xi32, #tpu.memory_space<hbm>>
          %dma_wait3A_235 = arith.constant 0 : i32
          %dma_wait3A_236 = tpu.memref_slice %arg3[%dma_wait3A_235] : memref<320000xi32, #tpu.memory_space<hbm>> -> memref<80xi32, #tpu.memory_space<hbm>>
          tpu.wait_dma2 semaphore(%arg24 : memref<!tpu.dma_semaphore, #tpu.memory_space<semaphore_mem>>) src(%dma_wait3A_236 : memref<80xi32, #tpu.memory_space<hbm>>) dst(%arg11 : memref<80xi32, #tpu.memory_space<vmem>>)
          %dma_start3A_237 = arith.constant 0 : i32
          %dma_start3A_238 = arith.constant 0 : i32
          %dma_start3A_239 = arith.constant 0 : i32
          %dma_start3A_240 = tpu.memref_slice %arg6[%dma_start3A_237, %dma_start3A_238, %dma_start3A_239] : memref<4x80x128xf32, #tpu.memory_space<vmem>> -> memref<1x80x128xf32, #tpu.memory_space<vmem>>
          %dma_start3A_241 = tpu.memref_squeeze %dma_start3A_240 : memref<1x80x128xf32, #tpu.memory_space<vmem>> -> memref<80x128xf32, #tpu.memory_space<vmem>>
          %dma_start3A_242 = arith.constant 0 : i32
          %dma_start3A_243 = arith.constant 0 : i32
          %dma_start3A_244 = tpu.memref_slice %arg2[%dma_start3A_242, %dma_start3A_243] : memref<10000x128xf32, #tpu.memory_space<hbm>> -> memref<10000x128xf32, #tpu.memory_space<hbm>>
          tpu.enqueue_indirect_dma source(%dma_start3A_244 : memref<10000x128xf32, #tpu.memory_space<hbm>>) target(%dma_start3A_241 : memref<80x128xf32, #tpu.memory_space<vmem>>) offsets(%arg11 : memref<80xi32, #tpu.memory_space<vmem>>) semaphore(%arg26 : memref<!tpu.dma_semaphore, #tpu.memory_space<semaphore_mem>>)
        } else {
        }
      } else {
      }
      %mul3A_141 = arith.constant 8 : i32
      %mul3A_142 = arith.muli %scan3A_125, %mul3A_141 : i32
      %add3A_143 = arith.constant 2 : i32
      %add3A_144 = arith.addi %mul3A_142, %add3A_143 : i32
      %lt3A_145 = arith.constant 125 : i32
      %lt3A_146 = arith.cmpi slt, %add3A_144, %lt3A_145 : i32
      %convert_element_type3A_147 = arith.extui %lt3A_146 : i1 to i32
      %cond3A_148 = arith.constant 0 : i32
      %cond3A_149 = arith.cmpi ne, %convert_element_type3A_147, %cond3A_148 : i32
      scf.if %cond3A_149 {
        %dma_wait3A_195 = arith.constant 2 : i32
        %dma_wait3A_196 = arith.constant 0 : i32
        %dma_wait3A_197 = arith.constant 0 : i32
        %dma_wait3A_198 = tpu.memref_slice %arg6[%dma_wait3A_195, %dma_wait3A_196, %dma_wait3A_197] : memref<4x80x128xf32, #tpu.memory_space<vmem>> -> memref<1x80x128xf32, #tpu.memory_space<vmem>>
        %dma_wait3A_199 = tpu.memref_squeeze %dma_wait3A_198 : memref<1x80x128xf32, #tpu.memory_space<vmem>> -> memref<80x128xf32, #tpu.memory_space<vmem>>
        %dma_wait3A_200 = arith.constant 0 : i32
        %dma_wait3A_201 = arith.constant 0 : i32
        %dma_wait3A_202 = tpu.memref_slice %arg2[%dma_wait3A_200, %dma_wait3A_201] : memref<10000x128xf32, #tpu.memory_space<hbm>> -> memref<10000x128xf32, #tpu.memory_space<hbm>>
        tpu.wait_indirect_dma semaphore(%arg26 : memref<!tpu.dma_semaphore, #tpu.memory_space<semaphore_mem>>) src(%dma_wait3A_202 : memref<10000x128xf32, #tpu.memory_space<hbm>>) dst(%dma_wait3A_199 : memref<80x128xf32, #tpu.memory_space<vmem>>)
        %dma_wait3A_203 = arith.constant 0 : i32
        %dma_wait3A_204 = tpu.memref_slice %arg4[%dma_wait3A_203] : memref<320000xi32, #tpu.memory_space<hbm>> -> memref<80xi32, #tpu.memory_space<hbm>>
        %dma_wait3A_205 = arith.constant 0 : i32
        %dma_wait3A_206 = tpu.memref_slice %arg4[%dma_wait3A_205] : memref<320000xi32, #tpu.memory_space<hbm>> -> memref<80xi32, #tpu.memory_space<hbm>>
        tpu.wait_dma2 semaphore(%arg25 : memref<!tpu.dma_semaphore, #tpu.memory_space<semaphore_mem>>) src(%dma_wait3A_206 : memref<80xi32, #tpu.memory_space<hbm>>) dst(%arg17 : memref<80xi32, #tpu.memory_space<vmem>>)
        %dma_start3A_207 = arith.constant 2 : i32
        %dma_start3A_208 = arith.constant 0 : i32
        %dma_start3A_209 = arith.constant 0 : i32
        %dma_start3A_210 = tpu.memref_slice %arg6[%dma_start3A_207, %dma_start3A_208, %dma_start3A_209] : memref<4x80x128xf32, #tpu.memory_space<vmem>> -> memref<1x80x128xf32, #tpu.memory_space<vmem>>
        %dma_start3A_211 = tpu.memref_squeeze %dma_start3A_210 : memref<1x80x128xf32, #tpu.memory_space<vmem>> -> memref<80x128xf32, #tpu.memory_space<vmem>>
        %dma_start3A_212 = arith.constant 0 : i32
        %dma_start3A_213 = arith.constant 0 : i32
        %dma_start3A_214 = tpu.memref_slice %arg23[%dma_start3A_212, %dma_start3A_213] : memref<10000x128xf32, #tpu.memory_space<vmem_shared>> -> memref<10000x128xf32, #tpu.memory_space<vmem_shared>>
        tpu.enqueue_indirect_dma source(%dma_start3A_211 : memref<80x128xf32, #tpu.memory_space<vmem>>) target(%dma_start3A_214 : memref<10000x128xf32, #tpu.memory_space<vmem_shared>>) offsets(%arg17 : memref<80xi32, #tpu.memory_space<vmem>>) semaphore(%arg28 : memref<!tpu.dma_semaphore, #tpu.memory_space<semaphore_mem>>) {add = true}
        %gt3A = arith.constant 0 : i32
        %gt3A_215 = arith.cmpi sgt, %add3A_144, %gt3A : i32
        %convert_element_type3A_216 = arith.extui %gt3A_215 : i1 to i32
        %cond3A_217 = arith.constant 0 : i32
        %cond3A_218 = arith.cmpi ne, %convert_element_type3A_216, %cond3A_217 : i32
        scf.if %cond3A_218 {
          %dma_wait3A_233 = arith.constant 0 : i32
          %dma_wait3A_234 = arith.constant 0 : i32
          %dma_wait3A_235 = arith.constant 0 : i32
          %dma_wait3A_236 = tpu.memref_slice %arg6[%dma_wait3A_233, %dma_wait3A_234, %dma_wait3A_235] : memref<4x80x128xf32, #tpu.memory_space<vmem>> -> memref<1x80x128xf32, #tpu.memory_space<vmem>>
          %dma_wait3A_237 = tpu.memref_squeeze %dma_wait3A_236 : memref<1x80x128xf32, #tpu.memory_space<vmem>> -> memref<80x128xf32, #tpu.memory_space<vmem>>
          %dma_wait3A_238 = arith.constant 0 : i32
          %dma_wait3A_239 = arith.constant 0 : i32
          %dma_wait3A_240 = tpu.memref_slice %arg23[%dma_wait3A_238, %dma_wait3A_239] : memref<10000x128xf32, #tpu.memory_space<vmem_shared>> -> memref<10000x128xf32, #tpu.memory_space<vmem_shared>>
          tpu.wait_indirect_dma semaphore(%arg28 : memref<!tpu.dma_semaphore, #tpu.memory_space<semaphore_mem>>) src(%dma_wait3A_237 : memref<80x128xf32, #tpu.memory_space<vmem>>) dst(%dma_wait3A_240 : memref<10000x128xf32, #tpu.memory_space<vmem_shared>>)
        } else {
        }
        %add3A_219 = arith.constant 7 : i32
        %add3A_220 = arith.addi %add3A_144, %add3A_219 : i32
        %lt3A_221 = arith.constant 125 : i32
        %lt3A_222 = arith.cmpi slt, %add3A_220, %lt3A_221 : i32
        %convert_element_type3A_223 = arith.extui %lt3A_222 : i1 to i32
        %cond3A_224 = arith.constant 0 : i32
        %cond3A_225 = arith.cmpi ne, %convert_element_type3A_223, %cond3A_224 : i32
        scf.if %cond3A_225 {
          %add3A_233 = arith.constant 7 : i32
          %add3A_234 = arith.addi %add3A_144, %add3A_233 : i32
          %mul3A_235 = arith.constant 80 : i32
          %mul3A_236 = arith.muli %add3A_234, %mul3A_235 : i32
          %add3A_237 = arith.addi %mul3A_2, %mul3A_236 : i32
          %dma_start3A_238 = tpu.memref_slice %arg3[%add3A_237] : memref<320000xi32, #tpu.memory_space<hbm>> -> memref<80xi32, #tpu.memory_space<hbm>>
          %dma_start3A_239 = tpu.memref_slice %arg3[%add3A_237] : memref<320000xi32, #tpu.memory_space<hbm>> -> memref<80xi32, #tpu.memory_space<hbm>>
          tpu.enqueue_dma source(%dma_start3A_239 : memref<80xi32, #tpu.memory_space<hbm>>) target(%arg8 : memref<80xi32, #tpu.memory_space<vmem>>) target_semaphore(%arg24 : memref<!tpu.dma_semaphore, #tpu.memory_space<semaphore_mem>>)
          %dma_start3A_240 = tpu.memref_slice %arg4[%add3A_237] : memref<320000xi32, #tpu.memory_space<hbm>> -> memref<80xi32, #tpu.memory_space<hbm>>
          %dma_start3A_241 = tpu.memref_slice %arg4[%add3A_237] : memref<320000xi32, #tpu.memory_space<hbm>> -> memref<80xi32, #tpu.memory_space<hbm>>
          tpu.enqueue_dma source(%dma_start3A_241 : memref<80xi32, #tpu.memory_space<hbm>>) target(%arg16 : memref<80xi32, #tpu.memory_space<vmem>>) target_semaphore(%arg25 : memref<!tpu.dma_semaphore, #tpu.memory_space<semaphore_mem>>)
        } else {
        }
        %add3A_226 = arith.constant 3 : i32
        %add3A_227 = arith.addi %add3A_144, %add3A_226 : i32
        %lt3A_228 = arith.constant 125 : i32
        %lt3A_229 = arith.cmpi slt, %add3A_227, %lt3A_228 : i32
        %convert_element_type3A_230 = arith.extui %lt3A_229 : i1 to i32
        %cond3A_231 = arith.constant 0 : i32
        %cond3A_232 = arith.cmpi ne, %convert_element_type3A_230, %cond3A_231 : i32
        scf.if %cond3A_232 {
          %dma_wait3A_233 = arith.constant 0 : i32
          %dma_wait3A_234 = tpu.memref_slice %arg3[%dma_wait3A_233] : memref<320000xi32, #tpu.memory_space<hbm>> -> memref<80xi32, #tpu.memory_space<hbm>>
          %dma_wait3A_235 = arith.constant 0 : i32
          %dma_wait3A_236 = tpu.memref_slice %arg3[%dma_wait3A_235] : memref<320000xi32, #tpu.memory_space<hbm>> -> memref<80xi32, #tpu.memory_space<hbm>>
          tpu.wait_dma2 semaphore(%arg24 : memref<!tpu.dma_semaphore, #tpu.memory_space<semaphore_mem>>) src(%dma_wait3A_236 : memref<80xi32, #tpu.memory_space<hbm>>) dst(%arg12 : memref<80xi32, #tpu.memory_space<vmem>>)
          %dma_start3A_237 = arith.constant 1 : i32
          %dma_start3A_238 = arith.constant 0 : i32
          %dma_start3A_239 = arith.constant 0 : i32
          %dma_start3A_240 = tpu.memref_slice %arg6[%dma_start3A_237, %dma_start3A_238, %dma_start3A_239] : memref<4x80x128xf32, #tpu.memory_space<vmem>> -> memref<1x80x128xf32, #tpu.memory_space<vmem>>
          %dma_start3A_241 = tpu.memref_squeeze %dma_start3A_240 : memref<1x80x128xf32, #tpu.memory_space<vmem>> -> memref<80x128xf32, #tpu.memory_space<vmem>>
          %dma_start3A_242 = arith.constant 0 : i32
          %dma_start3A_243 = arith.constant 0 : i32
          %dma_start3A_244 = tpu.memref_slice %arg2[%dma_start3A_242, %dma_start3A_243] : memref<10000x128xf32, #tpu.memory_space<hbm>> -> memref<10000x128xf32, #tpu.memory_space<hbm>>
          tpu.enqueue_indirect_dma source(%dma_start3A_244 : memref<10000x128xf32, #tpu.memory_space<hbm>>) target(%dma_start3A_241 : memref<80x128xf32, #tpu.memory_space<vmem>>) offsets(%arg12 : memref<80xi32, #tpu.memory_space<vmem>>) semaphore(%arg27 : memref<!tpu.dma_semaphore, #tpu.memory_space<semaphore_mem>>)
        } else {
        }
      } else {
      }
      %mul3A_150 = arith.constant 8 : i32
      %mul3A_151 = arith.muli %scan3A_125, %mul3A_150 : i32
      %add3A_152 = arith.constant 3 : i32
      %add3A_153 = arith.addi %mul3A_151, %add3A_152 : i32
      %lt3A_154 = arith.constant 125 : i32
      %lt3A_155 = arith.cmpi slt, %add3A_153, %lt3A_154 : i32
      %convert_element_type3A_156 = arith.extui %lt3A_155 : i1 to i32
      %cond3A_157 = arith.constant 0 : i32
      %cond3A_158 = arith.cmpi ne, %convert_element_type3A_156, %cond3A_157 : i32
      scf.if %cond3A_158 {
        %dma_wait3A_195 = arith.constant 3 : i32
        %dma_wait3A_196 = arith.constant 0 : i32
        %dma_wait3A_197 = arith.constant 0 : i32
        %dma_wait3A_198 = tpu.memref_slice %arg6[%dma_wait3A_195, %dma_wait3A_196, %dma_wait3A_197] : memref<4x80x128xf32, #tpu.memory_space<vmem>> -> memref<1x80x128xf32, #tpu.memory_space<vmem>>
        %dma_wait3A_199 = tpu.memref_squeeze %dma_wait3A_198 : memref<1x80x128xf32, #tpu.memory_space<vmem>> -> memref<80x128xf32, #tpu.memory_space<vmem>>
        %dma_wait3A_200 = arith.constant 0 : i32
        %dma_wait3A_201 = arith.constant 0 : i32
        %dma_wait3A_202 = tpu.memref_slice %arg2[%dma_wait3A_200, %dma_wait3A_201] : memref<10000x128xf32, #tpu.memory_space<hbm>> -> memref<10000x128xf32, #tpu.memory_space<hbm>>
        tpu.wait_indirect_dma semaphore(%arg27 : memref<!tpu.dma_semaphore, #tpu.memory_space<semaphore_mem>>) src(%dma_wait3A_202 : memref<10000x128xf32, #tpu.memory_space<hbm>>) dst(%dma_wait3A_199 : memref<80x128xf32, #tpu.memory_space<vmem>>)
        %dma_wait3A_203 = arith.constant 0 : i32
        %dma_wait3A_204 = tpu.memref_slice %arg4[%dma_wait3A_203] : memref<320000xi32, #tpu.memory_space<hbm>> -> memref<80xi32, #tpu.memory_space<hbm>>
        %dma_wait3A_205 = arith.constant 0 : i32
        %dma_wait3A_206 = tpu.memref_slice %arg4[%dma_wait3A_205] : memref<320000xi32, #tpu.memory_space<hbm>> -> memref<80xi32, #tpu.memory_space<hbm>>
        tpu.wait_dma2 semaphore(%arg25 : memref<!tpu.dma_semaphore, #tpu.memory_space<semaphore_mem>>) src(%dma_wait3A_206 : memref<80xi32, #tpu.memory_space<hbm>>) dst(%arg18 : memref<80xi32, #tpu.memory_space<vmem>>)
        %dma_start3A_207 = arith.constant 3 : i32
        %dma_start3A_208 = arith.constant 0 : i32
        %dma_start3A_209 = arith.constant 0 : i32
        %dma_start3A_210 = tpu.memref_slice %arg6[%dma_start3A_207, %dma_start3A_208, %dma_start3A_209] : memref<4x80x128xf32, #tpu.memory_space<vmem>> -> memref<1x80x128xf32, #tpu.memory_space<vmem>>
        %dma_start3A_211 = tpu.memref_squeeze %dma_start3A_210 : memref<1x80x128xf32, #tpu.memory_space<vmem>> -> memref<80x128xf32, #tpu.memory_space<vmem>>
        %dma_start3A_212 = arith.constant 0 : i32
        %dma_start3A_213 = arith.constant 0 : i32
        %dma_start3A_214 = tpu.memref_slice %arg23[%dma_start3A_212, %dma_start3A_213] : memref<10000x128xf32, #tpu.memory_space<vmem_shared>> -> memref<10000x128xf32, #tpu.memory_space<vmem_shared>>
        tpu.enqueue_indirect_dma source(%dma_start3A_211 : memref<80x128xf32, #tpu.memory_space<vmem>>) target(%dma_start3A_214 : memref<10000x128xf32, #tpu.memory_space<vmem_shared>>) offsets(%arg18 : memref<80xi32, #tpu.memory_space<vmem>>) semaphore(%arg28 : memref<!tpu.dma_semaphore, #tpu.memory_space<semaphore_mem>>) {add = true}
        %gt3A = arith.constant 0 : i32
        %gt3A_215 = arith.cmpi sgt, %add3A_153, %gt3A : i32
        %convert_element_type3A_216 = arith.extui %gt3A_215 : i1 to i32
        %cond3A_217 = arith.constant 0 : i32
        %cond3A_218 = arith.cmpi ne, %convert_element_type3A_216, %cond3A_217 : i32
        scf.if %cond3A_218 {
          %dma_wait3A_233 = arith.constant 0 : i32
          %dma_wait3A_234 = arith.constant 0 : i32
          %dma_wait3A_235 = arith.constant 0 : i32
          %dma_wait3A_236 = tpu.memref_slice %arg6[%dma_wait3A_233, %dma_wait3A_234, %dma_wait3A_235] : memref<4x80x128xf32, #tpu.memory_space<vmem>> -> memref<1x80x128xf32, #tpu.memory_space<vmem>>
          %dma_wait3A_237 = tpu.memref_squeeze %dma_wait3A_236 : memref<1x80x128xf32, #tpu.memory_space<vmem>> -> memref<80x128xf32, #tpu.memory_space<vmem>>
          %dma_wait3A_238 = arith.constant 0 : i32
          %dma_wait3A_239 = arith.constant 0 : i32
          %dma_wait3A_240 = tpu.memref_slice %arg23[%dma_wait3A_238, %dma_wait3A_239] : memref<10000x128xf32, #tpu.memory_space<vmem_shared>> -> memref<10000x128xf32, #tpu.memory_space<vmem_shared>>
          tpu.wait_indirect_dma semaphore(%arg28 : memref<!tpu.dma_semaphore, #tpu.memory_space<semaphore_mem>>) src(%dma_wait3A_237 : memref<80x128xf32, #tpu.memory_space<vmem>>) dst(%dma_wait3A_240 : memref<10000x128xf32, #tpu.memory_space<vmem_shared>>)
        } else {
        }
        %add3A_219 = arith.constant 7 : i32
        %add3A_220 = arith.addi %add3A_153, %add3A_219 : i32
        %lt3A_221 = arith.constant 125 : i32
        %lt3A_222 = arith.cmpi slt, %add3A_220, %lt3A_221 : i32
        %convert_element_type3A_223 = arith.extui %lt3A_222 : i1 to i32
        %cond3A_224 = arith.constant 0 : i32
        %cond3A_225 = arith.cmpi ne, %convert_element_type3A_223, %cond3A_224 : i32
        scf.if %cond3A_225 {
          %add3A_233 = arith.constant 7 : i32
          %add3A_234 = arith.addi %add3A_153, %add3A_233 : i32
          %mul3A_235 = arith.constant 80 : i32
          %mul3A_236 = arith.muli %add3A_234, %mul3A_235 : i32
          %add3A_237 = arith.addi %mul3A_2, %mul3A_236 : i32
          %dma_start3A_238 = tpu.memref_slice %arg3[%add3A_237] : memref<320000xi32, #tpu.memory_space<hbm>> -> memref<80xi32, #tpu.memory_space<hbm>>
          %dma_start3A_239 = tpu.memref_slice %arg3[%add3A_237] : memref<320000xi32, #tpu.memory_space<hbm>> -> memref<80xi32, #tpu.memory_space<hbm>>
          tpu.enqueue_dma source(%dma_start3A_239 : memref<80xi32, #tpu.memory_space<hbm>>) target(%arg9 : memref<80xi32, #tpu.memory_space<vmem>>) target_semaphore(%arg24 : memref<!tpu.dma_semaphore, #tpu.memory_space<semaphore_mem>>)
          %dma_start3A_240 = tpu.memref_slice %arg4[%add3A_237] : memref<320000xi32, #tpu.memory_space<hbm>> -> memref<80xi32, #tpu.memory_space<hbm>>
          %dma_start3A_241 = tpu.memref_slice %arg4[%add3A_237] : memref<320000xi32, #tpu.memory_space<hbm>> -> memref<80xi32, #tpu.memory_space<hbm>>
          tpu.enqueue_dma source(%dma_start3A_241 : memref<80xi32, #tpu.memory_space<hbm>>) target(%arg17 : memref<80xi32, #tpu.memory_space<vmem>>) target_semaphore(%arg25 : memref<!tpu.dma_semaphore, #tpu.memory_space<semaphore_mem>>)
        } else {
        }
        %add3A_226 = arith.constant 3 : i32
        %add3A_227 = arith.addi %add3A_153, %add3A_226 : i32
        %lt3A_228 = arith.constant 125 : i32
        %lt3A_229 = arith.cmpi slt, %add3A_227, %lt3A_228 : i32
        %convert_element_type3A_230 = arith.extui %lt3A_229 : i1 to i32
        %cond3A_231 = arith.constant 0 : i32
        %cond3A_232 = arith.cmpi ne, %convert_element_type3A_230, %cond3A_231 : i32
        scf.if %cond3A_232 {
          %dma_wait3A_233 = arith.constant 0 : i32
          %dma_wait3A_234 = tpu.memref_slice %arg3[%dma_wait3A_233] : memref<320000xi32, #tpu.memory_space<hbm>> -> memref<80xi32, #tpu.memory_space<hbm>>
          %dma_wait3A_235 = arith.constant 0 : i32
          %dma_wait3A_236 = tpu.memref_slice %arg3[%dma_wait3A_235] : memref<320000xi32, #tpu.memory_space<hbm>> -> memref<80xi32, #tpu.memory_space<hbm>>
          tpu.wait_dma2 semaphore(%arg24 : memref<!tpu.dma_semaphore, #tpu.memory_space<semaphore_mem>>) src(%dma_wait3A_236 : memref<80xi32, #tpu.memory_space<hbm>>) dst(%arg13 : memref<80xi32, #tpu.memory_space<vmem>>)
          %dma_start3A_237 = arith.constant 2 : i32
          %dma_start3A_238 = arith.constant 0 : i32
          %dma_start3A_239 = arith.constant 0 : i32
          %dma_start3A_240 = tpu.memref_slice %arg6[%dma_start3A_237, %dma_start3A_238, %dma_start3A_239] : memref<4x80x128xf32, #tpu.memory_space<vmem>> -> memref<1x80x128xf32, #tpu.memory_space<vmem>>
          %dma_start3A_241 = tpu.memref_squeeze %dma_start3A_240 : memref<1x80x128xf32, #tpu.memory_space<vmem>> -> memref<80x128xf32, #tpu.memory_space<vmem>>
          %dma_start3A_242 = arith.constant 0 : i32
          %dma_start3A_243 = arith.constant 0 : i32
          %dma_start3A_244 = tpu.memref_slice %arg2[%dma_start3A_242, %dma_start3A_243] : memref<10000x128xf32, #tpu.memory_space<hbm>> -> memref<10000x128xf32, #tpu.memory_space<hbm>>
          tpu.enqueue_indirect_dma source(%dma_start3A_244 : memref<10000x128xf32, #tpu.memory_space<hbm>>) target(%dma_start3A_241 : memref<80x128xf32, #tpu.memory_space<vmem>>) offsets(%arg13 : memref<80xi32, #tpu.memory_space<vmem>>) semaphore(%arg26 : memref<!tpu.dma_semaphore, #tpu.memory_space<semaphore_mem>>)
        } else {
        }
      } else {
      }
      %mul3A_159 = arith.constant 8 : i32
      %mul3A_160 = arith.muli %scan3A_125, %mul3A_159 : i32
      %add3A_161 = arith.constant 4 : i32
      %add3A_162 = arith.addi %mul3A_160, %add3A_161 : i32
      %lt3A_163 = arith.constant 125 : i32
      %lt3A_164 = arith.cmpi slt, %add3A_162, %lt3A_163 : i32
      %convert_element_type3A_165 = arith.extui %lt3A_164 : i1 to i32
      %cond3A_166 = arith.constant 0 : i32
      %cond3A_167 = arith.cmpi ne, %convert_element_type3A_165, %cond3A_166 : i32
      scf.if %cond3A_167 {
        %dma_wait3A_195 = arith.constant 0 : i32
        %dma_wait3A_196 = arith.constant 0 : i32
        %dma_wait3A_197 = arith.constant 0 : i32
        %dma_wait3A_198 = tpu.memref_slice %arg6[%dma_wait3A_195, %dma_wait3A_196, %dma_wait3A_197] : memref<4x80x128xf32, #tpu.memory_space<vmem>> -> memref<1x80x128xf32, #tpu.memory_space<vmem>>
        %dma_wait3A_199 = tpu.memref_squeeze %dma_wait3A_198 : memref<1x80x128xf32, #tpu.memory_space<vmem>> -> memref<80x128xf32, #tpu.memory_space<vmem>>
        %dma_wait3A_200 = arith.constant 0 : i32
        %dma_wait3A_201 = arith.constant 0 : i32
        %dma_wait3A_202 = tpu.memref_slice %arg2[%dma_wait3A_200, %dma_wait3A_201] : memref<10000x128xf32, #tpu.memory_space<hbm>> -> memref<10000x128xf32, #tpu.memory_space<hbm>>
        tpu.wait_indirect_dma semaphore(%arg26 : memref<!tpu.dma_semaphore, #tpu.memory_space<semaphore_mem>>) src(%dma_wait3A_202 : memref<10000x128xf32, #tpu.memory_space<hbm>>) dst(%dma_wait3A_199 : memref<80x128xf32, #tpu.memory_space<vmem>>)
        %dma_wait3A_203 = arith.constant 0 : i32
        %dma_wait3A_204 = tpu.memref_slice %arg4[%dma_wait3A_203] : memref<320000xi32, #tpu.memory_space<hbm>> -> memref<80xi32, #tpu.memory_space<hbm>>
        %dma_wait3A_205 = arith.constant 0 : i32
        %dma_wait3A_206 = tpu.memref_slice %arg4[%dma_wait3A_205] : memref<320000xi32, #tpu.memory_space<hbm>> -> memref<80xi32, #tpu.memory_space<hbm>>
        tpu.wait_dma2 semaphore(%arg25 : memref<!tpu.dma_semaphore, #tpu.memory_space<semaphore_mem>>) src(%dma_wait3A_206 : memref<80xi32, #tpu.memory_space<hbm>>) dst(%arg19 : memref<80xi32, #tpu.memory_space<vmem>>)
        %dma_start3A_207 = arith.constant 0 : i32
        %dma_start3A_208 = arith.constant 0 : i32
        %dma_start3A_209 = arith.constant 0 : i32
        %dma_start3A_210 = tpu.memref_slice %arg6[%dma_start3A_207, %dma_start3A_208, %dma_start3A_209] : memref<4x80x128xf32, #tpu.memory_space<vmem>> -> memref<1x80x128xf32, #tpu.memory_space<vmem>>
        %dma_start3A_211 = tpu.memref_squeeze %dma_start3A_210 : memref<1x80x128xf32, #tpu.memory_space<vmem>> -> memref<80x128xf32, #tpu.memory_space<vmem>>
        %dma_start3A_212 = arith.constant 0 : i32
        %dma_start3A_213 = arith.constant 0 : i32
        %dma_start3A_214 = tpu.memref_slice %arg23[%dma_start3A_212, %dma_start3A_213] : memref<10000x128xf32, #tpu.memory_space<vmem_shared>> -> memref<10000x128xf32, #tpu.memory_space<vmem_shared>>
        tpu.enqueue_indirect_dma source(%dma_start3A_211 : memref<80x128xf32, #tpu.memory_space<vmem>>) target(%dma_start3A_214 : memref<10000x128xf32, #tpu.memory_space<vmem_shared>>) offsets(%arg19 : memref<80xi32, #tpu.memory_space<vmem>>) semaphore(%arg28 : memref<!tpu.dma_semaphore, #tpu.memory_space<semaphore_mem>>) {add = true}
        %gt3A = arith.constant 0 : i32
        %gt3A_215 = arith.cmpi sgt, %add3A_162, %gt3A : i32
        %convert_element_type3A_216 = arith.extui %gt3A_215 : i1 to i32
        %cond3A_217 = arith.constant 0 : i32
        %cond3A_218 = arith.cmpi ne, %convert_element_type3A_216, %cond3A_217 : i32
        scf.if %cond3A_218 {
          %dma_wait3A_233 = arith.constant 0 : i32
          %dma_wait3A_234 = arith.constant 0 : i32
          %dma_wait3A_235 = arith.constant 0 : i32
          %dma_wait3A_236 = tpu.memref_slice %arg6[%dma_wait3A_233, %dma_wait3A_234, %dma_wait3A_235] : memref<4x80x128xf32, #tpu.memory_space<vmem>> -> memref<1x80x128xf32, #tpu.memory_space<vmem>>
          %dma_wait3A_237 = tpu.memref_squeeze %dma_wait3A_236 : memref<1x80x128xf32, #tpu.memory_space<vmem>> -> memref<80x128xf32, #tpu.memory_space<vmem>>
          %dma_wait3A_238 = arith.constant 0 : i32
          %dma_wait3A_239 = arith.constant 0 : i32
          %dma_wait3A_240 = tpu.memref_slice %arg23[%dma_wait3A_238, %dma_wait3A_239] : memref<10000x128xf32, #tpu.memory_space<vmem_shared>> -> memref<10000x128xf32, #tpu.memory_space<vmem_shared>>
          tpu.wait_indirect_dma semaphore(%arg28 : memref<!tpu.dma_semaphore, #tpu.memory_space<semaphore_mem>>) src(%dma_wait3A_237 : memref<80x128xf32, #tpu.memory_space<vmem>>) dst(%dma_wait3A_240 : memref<10000x128xf32, #tpu.memory_space<vmem_shared>>)
        } else {
        }
        %add3A_219 = arith.constant 7 : i32
        %add3A_220 = arith.addi %add3A_162, %add3A_219 : i32
        %lt3A_221 = arith.constant 125 : i32
        %lt3A_222 = arith.cmpi slt, %add3A_220, %lt3A_221 : i32
        %convert_element_type3A_223 = arith.extui %lt3A_222 : i1 to i32
        %cond3A_224 = arith.constant 0 : i32
        %cond3A_225 = arith.cmpi ne, %convert_element_type3A_223, %cond3A_224 : i32
        scf.if %cond3A_225 {
          %add3A_233 = arith.constant 7 : i32
          %add3A_234 = arith.addi %add3A_162, %add3A_233 : i32
          %mul3A_235 = arith.constant 80 : i32
          %mul3A_236 = arith.muli %add3A_234, %mul3A_235 : i32
          %add3A_237 = arith.addi %mul3A_2, %mul3A_236 : i32
          %dma_start3A_238 = tpu.memref_slice %arg3[%add3A_237] : memref<320000xi32, #tpu.memory_space<hbm>> -> memref<80xi32, #tpu.memory_space<hbm>>
          %dma_start3A_239 = tpu.memref_slice %arg3[%add3A_237] : memref<320000xi32, #tpu.memory_space<hbm>> -> memref<80xi32, #tpu.memory_space<hbm>>
          tpu.enqueue_dma source(%dma_start3A_239 : memref<80xi32, #tpu.memory_space<hbm>>) target(%arg10 : memref<80xi32, #tpu.memory_space<vmem>>) target_semaphore(%arg24 : memref<!tpu.dma_semaphore, #tpu.memory_space<semaphore_mem>>)
          %dma_start3A_240 = tpu.memref_slice %arg4[%add3A_237] : memref<320000xi32, #tpu.memory_space<hbm>> -> memref<80xi32, #tpu.memory_space<hbm>>
          %dma_start3A_241 = tpu.memref_slice %arg4[%add3A_237] : memref<320000xi32, #tpu.memory_space<hbm>> -> memref<80xi32, #tpu.memory_space<hbm>>
          tpu.enqueue_dma source(%dma_start3A_241 : memref<80xi32, #tpu.memory_space<hbm>>) target(%arg18 : memref<80xi32, #tpu.memory_space<vmem>>) target_semaphore(%arg25 : memref<!tpu.dma_semaphore, #tpu.memory_space<semaphore_mem>>)
        } else {
        }
        %add3A_226 = arith.constant 3 : i32
        %add3A_227 = arith.addi %add3A_162, %add3A_226 : i32
        %lt3A_228 = arith.constant 125 : i32
        %lt3A_229 = arith.cmpi slt, %add3A_227, %lt3A_228 : i32
        %convert_element_type3A_230 = arith.extui %lt3A_229 : i1 to i32
        %cond3A_231 = arith.constant 0 : i32
        %cond3A_232 = arith.cmpi ne, %convert_element_type3A_230, %cond3A_231 : i32
        scf.if %cond3A_232 {
          %dma_wait3A_233 = arith.constant 0 : i32
          %dma_wait3A_234 = tpu.memref_slice %arg3[%dma_wait3A_233] : memref<320000xi32, #tpu.memory_space<hbm>> -> memref<80xi32, #tpu.memory_space<hbm>>
          %dma_wait3A_235 = arith.constant 0 : i32
          %dma_wait3A_236 = tpu.memref_slice %arg3[%dma_wait3A_235] : memref<320000xi32, #tpu.memory_space<hbm>> -> memref<80xi32, #tpu.memory_space<hbm>>
          tpu.wait_dma2 semaphore(%arg24 : memref<!tpu.dma_semaphore, #tpu.memory_space<semaphore_mem>>) src(%dma_wait3A_236 : memref<80xi32, #tpu.memory_space<hbm>>) dst(%arg14 : memref<80xi32, #tpu.memory_space<vmem>>)
          %dma_start3A_237 = arith.constant 3 : i32
          %dma_start3A_238 = arith.constant 0 : i32
          %dma_start3A_239 = arith.constant 0 : i32
          %dma_start3A_240 = tpu.memref_slice %arg6[%dma_start3A_237, %dma_start3A_238, %dma_start3A_239] : memref<4x80x128xf32, #tpu.memory_space<vmem>> -> memref<1x80x128xf32, #tpu.memory_space<vmem>>
          %dma_start3A_241 = tpu.memref_squeeze %dma_start3A_240 : memref<1x80x128xf32, #tpu.memory_space<vmem>> -> memref<80x128xf32, #tpu.memory_space<vmem>>
          %dma_start3A_242 = arith.constant 0 : i32
          %dma_start3A_243 = arith.constant 0 : i32
          %dma_start3A_244 = tpu.memref_slice %arg2[%dma_start3A_242, %dma_start3A_243] : memref<10000x128xf32, #tpu.memory_space<hbm>> -> memref<10000x128xf32, #tpu.memory_space<hbm>>
          tpu.enqueue_indirect_dma source(%dma_start3A_244 : memref<10000x128xf32, #tpu.memory_space<hbm>>) target(%dma_start3A_241 : memref<80x128xf32, #tpu.memory_space<vmem>>) offsets(%arg14 : memref<80xi32, #tpu.memory_space<vmem>>) semaphore(%arg27 : memref<!tpu.dma_semaphore, #tpu.memory_space<semaphore_mem>>)
        } else {
        }
      } else {
      }
      %mul3A_168 = arith.constant 8 : i32
      %mul3A_169 = arith.muli %scan3A_125, %mul3A_168 : i32
      %add3A_170 = arith.constant 5 : i32
      %add3A_171 = arith.addi %mul3A_169, %add3A_170 : i32
      %lt3A_172 = arith.constant 125 : i32
      %lt3A_173 = arith.cmpi slt, %add3A_171, %lt3A_172 : i32
      %convert_element_type3A_174 = arith.extui %lt3A_173 : i1 to i32
      %cond3A_175 = arith.constant 0 : i32
      %cond3A_176 = arith.cmpi ne, %convert_element_type3A_174, %cond3A_175 : i32
      scf.if %cond3A_176 {
        %dma_wait3A_195 = arith.constant 1 : i32
        %dma_wait3A_196 = arith.constant 0 : i32
        %dma_wait3A_197 = arith.constant 0 : i32
        %dma_wait3A_198 = tpu.memref_slice %arg6[%dma_wait3A_195, %dma_wait3A_196, %dma_wait3A_197] : memref<4x80x128xf32, #tpu.memory_space<vmem>> -> memref<1x80x128xf32, #tpu.memory_space<vmem>>
        %dma_wait3A_199 = tpu.memref_squeeze %dma_wait3A_198 : memref<1x80x128xf32, #tpu.memory_space<vmem>> -> memref<80x128xf32, #tpu.memory_space<vmem>>
        %dma_wait3A_200 = arith.constant 0 : i32
        %dma_wait3A_201 = arith.constant 0 : i32
        %dma_wait3A_202 = tpu.memref_slice %arg2[%dma_wait3A_200, %dma_wait3A_201] : memref<10000x128xf32, #tpu.memory_space<hbm>> -> memref<10000x128xf32, #tpu.memory_space<hbm>>
        tpu.wait_indirect_dma semaphore(%arg27 : memref<!tpu.dma_semaphore, #tpu.memory_space<semaphore_mem>>) src(%dma_wait3A_202 : memref<10000x128xf32, #tpu.memory_space<hbm>>) dst(%dma_wait3A_199 : memref<80x128xf32, #tpu.memory_space<vmem>>)
        %dma_wait3A_203 = arith.constant 0 : i32
        %dma_wait3A_204 = tpu.memref_slice %arg4[%dma_wait3A_203] : memref<320000xi32, #tpu.memory_space<hbm>> -> memref<80xi32, #tpu.memory_space<hbm>>
        %dma_wait3A_205 = arith.constant 0 : i32
        %dma_wait3A_206 = tpu.memref_slice %arg4[%dma_wait3A_205] : memref<320000xi32, #tpu.memory_space<hbm>> -> memref<80xi32, #tpu.memory_space<hbm>>
        tpu.wait_dma2 semaphore(%arg25 : memref<!tpu.dma_semaphore, #tpu.memory_space<semaphore_mem>>) src(%dma_wait3A_206 : memref<80xi32, #tpu.memory_space<hbm>>) dst(%arg20 : memref<80xi32, #tpu.memory_space<vmem>>)
        %dma_start3A_207 = arith.constant 1 : i32
        %dma_start3A_208 = arith.constant 0 : i32
        %dma_start3A_209 = arith.constant 0 : i32
        %dma_start3A_210 = tpu.memref_slice %arg6[%dma_start3A_207, %dma_start3A_208, %dma_start3A_209] : memref<4x80x128xf32, #tpu.memory_space<vmem>> -> memref<1x80x128xf32, #tpu.memory_space<vmem>>
        %dma_start3A_211 = tpu.memref_squeeze %dma_start3A_210 : memref<1x80x128xf32, #tpu.memory_space<vmem>> -> memref<80x128xf32, #tpu.memory_space<vmem>>
        %dma_start3A_212 = arith.constant 0 : i32
        %dma_start3A_213 = arith.constant 0 : i32
        %dma_start3A_214 = tpu.memref_slice %arg23[%dma_start3A_212, %dma_start3A_213] : memref<10000x128xf32, #tpu.memory_space<vmem_shared>> -> memref<10000x128xf32, #tpu.memory_space<vmem_shared>>
        tpu.enqueue_indirect_dma source(%dma_start3A_211 : memref<80x128xf32, #tpu.memory_space<vmem>>) target(%dma_start3A_214 : memref<10000x128xf32, #tpu.memory_space<vmem_shared>>) offsets(%arg20 : memref<80xi32, #tpu.memory_space<vmem>>) semaphore(%arg28 : memref<!tpu.dma_semaphore, #tpu.memory_space<semaphore_mem>>) {add = true}
        %gt3A = arith.constant 0 : i32
        %gt3A_215 = arith.cmpi sgt, %add3A_171, %gt3A : i32
        %convert_element_type3A_216 = arith.extui %gt3A_215 : i1 to i32
        %cond3A_217 = arith.constant 0 : i32
        %cond3A_218 = arith.cmpi ne, %convert_element_type3A_216, %cond3A_217 : i32
        scf.if %cond3A_218 {
          %dma_wait3A_233 = arith.constant 0 : i32
          %dma_wait3A_234 = arith.constant 0 : i32
          %dma_wait3A_235 = arith.constant 0 : i32
          %dma_wait3A_236 = tpu.memref_slice %arg6[%dma_wait3A_233, %dma_wait3A_234, %dma_wait3A_235] : memref<4x80x128xf32, #tpu.memory_space<vmem>> -> memref<1x80x128xf32, #tpu.memory_space<vmem>>
          %dma_wait3A_237 = tpu.memref_squeeze %dma_wait3A_236 : memref<1x80x128xf32, #tpu.memory_space<vmem>> -> memref<80x128xf32, #tpu.memory_space<vmem>>
          %dma_wait3A_238 = arith.constant 0 : i32
          %dma_wait3A_239 = arith.constant 0 : i32
          %dma_wait3A_240 = tpu.memref_slice %arg23[%dma_wait3A_238, %dma_wait3A_239] : memref<10000x128xf32, #tpu.memory_space<vmem_shared>> -> memref<10000x128xf32, #tpu.memory_space<vmem_shared>>
          tpu.wait_indirect_dma semaphore(%arg28 : memref<!tpu.dma_semaphore, #tpu.memory_space<semaphore_mem>>) src(%dma_wait3A_237 : memref<80x128xf32, #tpu.memory_space<vmem>>) dst(%dma_wait3A_240 : memref<10000x128xf32, #tpu.memory_space<vmem_shared>>)
        } else {
        }
        %add3A_219 = arith.constant 7 : i32
        %add3A_220 = arith.addi %add3A_171, %add3A_219 : i32
        %lt3A_221 = arith.constant 125 : i32
        %lt3A_222 = arith.cmpi slt, %add3A_220, %lt3A_221 : i32
        %convert_element_type3A_223 = arith.extui %lt3A_222 : i1 to i32
        %cond3A_224 = arith.constant 0 : i32
        %cond3A_225 = arith.cmpi ne, %convert_element_type3A_223, %cond3A_224 : i32
        scf.if %cond3A_225 {
          %add3A_233 = arith.constant 7 : i32
          %add3A_234 = arith.addi %add3A_171, %add3A_233 : i32
          %mul3A_235 = arith.constant 80 : i32
          %mul3A_236 = arith.muli %add3A_234, %mul3A_235 : i32
          %add3A_237 = arith.addi %mul3A_2, %mul3A_236 : i32
          %dma_start3A_238 = tpu.memref_slice %arg3[%add3A_237] : memref<320000xi32, #tpu.memory_space<hbm>> -> memref<80xi32, #tpu.memory_space<hbm>>
          %dma_start3A_239 = tpu.memref_slice %arg3[%add3A_237] : memref<320000xi32, #tpu.memory_space<hbm>> -> memref<80xi32, #tpu.memory_space<hbm>>
          tpu.enqueue_dma source(%dma_start3A_239 : memref<80xi32, #tpu.memory_space<hbm>>) target(%arg11 : memref<80xi32, #tpu.memory_space<vmem>>) target_semaphore(%arg24 : memref<!tpu.dma_semaphore, #tpu.memory_space<semaphore_mem>>)
          %dma_start3A_240 = tpu.memref_slice %arg4[%add3A_237] : memref<320000xi32, #tpu.memory_space<hbm>> -> memref<80xi32, #tpu.memory_space<hbm>>
          %dma_start3A_241 = tpu.memref_slice %arg4[%add3A_237] : memref<320000xi32, #tpu.memory_space<hbm>> -> memref<80xi32, #tpu.memory_space<hbm>>
          tpu.enqueue_dma source(%dma_start3A_241 : memref<80xi32, #tpu.memory_space<hbm>>) target(%arg19 : memref<80xi32, #tpu.memory_space<vmem>>) target_semaphore(%arg25 : memref<!tpu.dma_semaphore, #tpu.memory_space<semaphore_mem>>)
        } else {
        }
        %add3A_226 = arith.constant 3 : i32
        %add3A_227 = arith.addi %add3A_171, %add3A_226 : i32
        %lt3A_228 = arith.constant 125 : i32
        %lt3A_229 = arith.cmpi slt, %add3A_227, %lt3A_228 : i32
        %convert_element_type3A_230 = arith.extui %lt3A_229 : i1 to i32
        %cond3A_231 = arith.constant 0 : i32
        %cond3A_232 = arith.cmpi ne, %convert_element_type3A_230, %cond3A_231 : i32
        scf.if %cond3A_232 {
          %dma_wait3A_233 = arith.constant 0 : i32
          %dma_wait3A_234 = tpu.memref_slice %arg3[%dma_wait3A_233] : memref<320000xi32, #tpu.memory_space<hbm>> -> memref<80xi32, #tpu.memory_space<hbm>>
          %dma_wait3A_235 = arith.constant 0 : i32
          %dma_wait3A_236 = tpu.memref_slice %arg3[%dma_wait3A_235] : memref<320000xi32, #tpu.memory_space<hbm>> -> memref<80xi32, #tpu.memory_space<hbm>>
          tpu.wait_dma2 semaphore(%arg24 : memref<!tpu.dma_semaphore, #tpu.memory_space<semaphore_mem>>) src(%dma_wait3A_236 : memref<80xi32, #tpu.memory_space<hbm>>) dst(%arg7 : memref<80xi32, #tpu.memory_space<vmem>>)
          %dma_start3A_237 = arith.constant 0 : i32
          %dma_start3A_238 = arith.constant 0 : i32
          %dma_start3A_239 = arith.constant 0 : i32
          %dma_start3A_240 = tpu.memref_slice %arg6[%dma_start3A_237, %dma_start3A_238, %dma_start3A_239] : memref<4x80x128xf32, #tpu.memory_space<vmem>> -> memref<1x80x128xf32, #tpu.memory_space<vmem>>
          %dma_start3A_241 = tpu.memref_squeeze %dma_start3A_240 : memref<1x80x128xf32, #tpu.memory_space<vmem>> -> memref<80x128xf32, #tpu.memory_space<vmem>>
          %dma_start3A_242 = arith.constant 0 : i32
          %dma_start3A_243 = arith.constant 0 : i32
          %dma_start3A_244 = tpu.memref_slice %arg2[%dma_start3A_242, %dma_start3A_243] : memref<10000x128xf32, #tpu.memory_space<hbm>> -> memref<10000x128xf32, #tpu.memory_space<hbm>>
          tpu.enqueue_indirect_dma source(%dma_start3A_244 : memref<10000x128xf32, #tpu.memory_space<hbm>>) target(%dma_start3A_241 : memref<80x128xf32, #tpu.memory_space<vmem>>) offsets(%arg7 : memref<80xi32, #tpu.memory_space<vmem>>) semaphore(%arg26 : memref<!tpu.dma_semaphore, #tpu.memory_space<semaphore_mem>>)
        } else {
        }
      } else {
      }
      %mul3A_177 = arith.constant 8 : i32
      %mul3A_178 = arith.muli %scan3A_125, %mul3A_177 : i32
      %add3A_179 = arith.constant 6 : i32
      %add3A_180 = arith.addi %mul3A_178, %add3A_179 : i32
      %lt3A_181 = arith.constant 125 : i32
      %lt3A_182 = arith.cmpi slt, %add3A_180, %lt3A_181 : i32
      %convert_element_type3A_183 = arith.extui %lt3A_182 : i1 to i32
      %cond3A_184 = arith.constant 0 : i32
      %cond3A_185 = arith.cmpi ne, %convert_element_type3A_183, %cond3A_184 : i32
      scf.if %cond3A_185 {
        %dma_wait3A_195 = arith.constant 2 : i32
        %dma_wait3A_196 = arith.constant 0 : i32
        %dma_wait3A_197 = arith.constant 0 : i32
        %dma_wait3A_198 = tpu.memref_slice %arg6[%dma_wait3A_195, %dma_wait3A_196, %dma_wait3A_197] : memref<4x80x128xf32, #tpu.memory_space<vmem>> -> memref<1x80x128xf32, #tpu.memory_space<vmem>>
        %dma_wait3A_199 = tpu.memref_squeeze %dma_wait3A_198 : memref<1x80x128xf32, #tpu.memory_space<vmem>> -> memref<80x128xf32, #tpu.memory_space<vmem>>
        %dma_wait3A_200 = arith.constant 0 : i32
        %dma_wait3A_201 = arith.constant 0 : i32
        %dma_wait3A_202 = tpu.memref_slice %arg2[%dma_wait3A_200, %dma_wait3A_201] : memref<10000x128xf32, #tpu.memory_space<hbm>> -> memref<10000x128xf32, #tpu.memory_space<hbm>>
        tpu.wait_indirect_dma semaphore(%arg26 : memref<!tpu.dma_semaphore, #tpu.memory_space<semaphore_mem>>) src(%dma_wait3A_202 : memref<10000x128xf32, #tpu.memory_space<hbm>>) dst(%dma_wait3A_199 : memref<80x128xf32, #tpu.memory_space<vmem>>)
        %dma_wait3A_203 = arith.constant 0 : i32
        %dma_wait3A_204 = tpu.memref_slice %arg4[%dma_wait3A_203] : memref<320000xi32, #tpu.memory_space<hbm>> -> memref<80xi32, #tpu.memory_space<hbm>>
        %dma_wait3A_205 = arith.constant 0 : i32
        %dma_wait3A_206 = tpu.memref_slice %arg4[%dma_wait3A_205] : memref<320000xi32, #tpu.memory_space<hbm>> -> memref<80xi32, #tpu.memory_space<hbm>>
        tpu.wait_dma2 semaphore(%arg25 : memref<!tpu.dma_semaphore, #tpu.memory_space<semaphore_mem>>) src(%dma_wait3A_206 : memref<80xi32, #tpu.memory_space<hbm>>) dst(%arg21 : memref<80xi32, #tpu.memory_space<vmem>>)
        %dma_start3A_207 = arith.constant 2 : i32
        %dma_start3A_208 = arith.constant 0 : i32
        %dma_start3A_209 = arith.constant 0 : i32
        %dma_start3A_210 = tpu.memref_slice %arg6[%dma_start3A_207, %dma_start3A_208, %dma_start3A_209] : memref<4x80x128xf32, #tpu.memory_space<vmem>> -> memref<1x80x128xf32, #tpu.memory_space<vmem>>
        %dma_start3A_211 = tpu.memref_squeeze %dma_start3A_210 : memref<1x80x128xf32, #tpu.memory_space<vmem>> -> memref<80x128xf32, #tpu.memory_space<vmem>>
        %dma_start3A_212 = arith.constant 0 : i32
        %dma_start3A_213 = arith.constant 0 : i32
        %dma_start3A_214 = tpu.memref_slice %arg23[%dma_start3A_212, %dma_start3A_213] : memref<10000x128xf32, #tpu.memory_space<vmem_shared>> -> memref<10000x128xf32, #tpu.memory_space<vmem_shared>>
        tpu.enqueue_indirect_dma source(%dma_start3A_211 : memref<80x128xf32, #tpu.memory_space<vmem>>) target(%dma_start3A_214 : memref<10000x128xf32, #tpu.memory_space<vmem_shared>>) offsets(%arg21 : memref<80xi32, #tpu.memory_space<vmem>>) semaphore(%arg28 : memref<!tpu.dma_semaphore, #tpu.memory_space<semaphore_mem>>) {add = true}
        %gt3A = arith.constant 0 : i32
        %gt3A_215 = arith.cmpi sgt, %add3A_180, %gt3A : i32
        %convert_element_type3A_216 = arith.extui %gt3A_215 : i1 to i32
        %cond3A_217 = arith.constant 0 : i32
        %cond3A_218 = arith.cmpi ne, %convert_element_type3A_216, %cond3A_217 : i32
        scf.if %cond3A_218 {
          %dma_wait3A_233 = arith.constant 0 : i32
          %dma_wait3A_234 = arith.constant 0 : i32
          %dma_wait3A_235 = arith.constant 0 : i32
          %dma_wait3A_236 = tpu.memref_slice %arg6[%dma_wait3A_233, %dma_wait3A_234, %dma_wait3A_235] : memref<4x80x128xf32, #tpu.memory_space<vmem>> -> memref<1x80x128xf32, #tpu.memory_space<vmem>>
          %dma_wait3A_237 = tpu.memref_squeeze %dma_wait3A_236 : memref<1x80x128xf32, #tpu.memory_space<vmem>> -> memref<80x128xf32, #tpu.memory_space<vmem>>
          %dma_wait3A_238 = arith.constant 0 : i32
          %dma_wait3A_239 = arith.constant 0 : i32
          %dma_wait3A_240 = tpu.memref_slice %arg23[%dma_wait3A_238, %dma_wait3A_239] : memref<10000x128xf32, #tpu.memory_space<vmem_shared>> -> memref<10000x128xf32, #tpu.memory_space<vmem_shared>>
          tpu.wait_indirect_dma semaphore(%arg28 : memref<!tpu.dma_semaphore, #tpu.memory_space<semaphore_mem>>) src(%dma_wait3A_237 : memref<80x128xf32, #tpu.memory_space<vmem>>) dst(%dma_wait3A_240 : memref<10000x128xf32, #tpu.memory_space<vmem_shared>>)
        } else {
        }
        %add3A_219 = arith.constant 7 : i32
        %add3A_220 = arith.addi %add3A_180, %add3A_219 : i32
        %lt3A_221 = arith.constant 125 : i32
        %lt3A_222 = arith.cmpi slt, %add3A_220, %lt3A_221 : i32
        %convert_element_type3A_223 = arith.extui %lt3A_222 : i1 to i32
        %cond3A_224 = arith.constant 0 : i32
        %cond3A_225 = arith.cmpi ne, %convert_element_type3A_223, %cond3A_224 : i32
        scf.if %cond3A_225 {
          %add3A_233 = arith.constant 7 : i32
          %add3A_234 = arith.addi %add3A_180, %add3A_233 : i32
          %mul3A_235 = arith.constant 80 : i32
          %mul3A_236 = arith.muli %add3A_234, %mul3A_235 : i32
          %add3A_237 = arith.addi %mul3A_2, %mul3A_236 : i32
          %dma_start3A_238 = tpu.memref_slice %arg3[%add3A_237] : memref<320000xi32, #tpu.memory_space<hbm>> -> memref<80xi32, #tpu.memory_space<hbm>>
          %dma_start3A_239 = tpu.memref_slice %arg3[%add3A_237] : memref<320000xi32, #tpu.memory_space<hbm>> -> memref<80xi32, #tpu.memory_space<hbm>>
          tpu.enqueue_dma source(%dma_start3A_239 : memref<80xi32, #tpu.memory_space<hbm>>) target(%arg12 : memref<80xi32, #tpu.memory_space<vmem>>) target_semaphore(%arg24 : memref<!tpu.dma_semaphore, #tpu.memory_space<semaphore_mem>>)
          %dma_start3A_240 = tpu.memref_slice %arg4[%add3A_237] : memref<320000xi32, #tpu.memory_space<hbm>> -> memref<80xi32, #tpu.memory_space<hbm>>
          %dma_start3A_241 = tpu.memref_slice %arg4[%add3A_237] : memref<320000xi32, #tpu.memory_space<hbm>> -> memref<80xi32, #tpu.memory_space<hbm>>
          tpu.enqueue_dma source(%dma_start3A_241 : memref<80xi32, #tpu.memory_space<hbm>>) target(%arg20 : memref<80xi32, #tpu.memory_space<vmem>>) target_semaphore(%arg25 : memref<!tpu.dma_semaphore, #tpu.memory_space<semaphore_mem>>)
        } else {
        }
        %add3A_226 = arith.constant 3 : i32
        %add3A_227 = arith.addi %add3A_180, %add3A_226 : i32
        %lt3A_228 = arith.constant 125 : i32
        %lt3A_229 = arith.cmpi slt, %add3A_227, %lt3A_228 : i32
        %convert_element_type3A_230 = arith.extui %lt3A_229 : i1 to i32
        %cond3A_231 = arith.constant 0 : i32
        %cond3A_232 = arith.cmpi ne, %convert_element_type3A_230, %cond3A_231 : i32
        scf.if %cond3A_232 {
          %dma_wait3A_233 = arith.constant 0 : i32
          %dma_wait3A_234 = tpu.memref_slice %arg3[%dma_wait3A_233] : memref<320000xi32, #tpu.memory_space<hbm>> -> memref<80xi32, #tpu.memory_space<hbm>>
          %dma_wait3A_235 = arith.constant 0 : i32
          %dma_wait3A_236 = tpu.memref_slice %arg3[%dma_wait3A_235] : memref<320000xi32, #tpu.memory_space<hbm>> -> memref<80xi32, #tpu.memory_space<hbm>>
          tpu.wait_dma2 semaphore(%arg24 : memref<!tpu.dma_semaphore, #tpu.memory_space<semaphore_mem>>) src(%dma_wait3A_236 : memref<80xi32, #tpu.memory_space<hbm>>) dst(%arg8 : memref<80xi32, #tpu.memory_space<vmem>>)
          %dma_start3A_237 = arith.constant 1 : i32
          %dma_start3A_238 = arith.constant 0 : i32
          %dma_start3A_239 = arith.constant 0 : i32
          %dma_start3A_240 = tpu.memref_slice %arg6[%dma_start3A_237, %dma_start3A_238, %dma_start3A_239] : memref<4x80x128xf32, #tpu.memory_space<vmem>> -> memref<1x80x128xf32, #tpu.memory_space<vmem>>
          %dma_start3A_241 = tpu.memref_squeeze %dma_start3A_240 : memref<1x80x128xf32, #tpu.memory_space<vmem>> -> memref<80x128xf32, #tpu.memory_space<vmem>>
          %dma_start3A_242 = arith.constant 0 : i32
          %dma_start3A_243 = arith.constant 0 : i32
          %dma_start3A_244 = tpu.memref_slice %arg2[%dma_start3A_242, %dma_start3A_243] : memref<10000x128xf32, #tpu.memory_space<hbm>> -> memref<10000x128xf32, #tpu.memory_space<hbm>>
          tpu.enqueue_indirect_dma source(%dma_start3A_244 : memref<10000x128xf32, #tpu.memory_space<hbm>>) target(%dma_start3A_241 : memref<80x128xf32, #tpu.memory_space<vmem>>) offsets(%arg8 : memref<80xi32, #tpu.memory_space<vmem>>) semaphore(%arg27 : memref<!tpu.dma_semaphore, #tpu.memory_space<semaphore_mem>>)
        } else {
        }
      } else {
      }
      %mul3A_186 = arith.constant 8 : i32
      %mul3A_187 = arith.muli %scan3A_125, %mul3A_186 : i32
      %add3A_188 = arith.constant 7 : i32
      %add3A_189 = arith.addi %mul3A_187, %add3A_188 : i32
      %lt3A_190 = arith.constant 125 : i32
      %lt3A_191 = arith.cmpi slt, %add3A_189, %lt3A_190 : i32
      %convert_element_type3A_192 = arith.extui %lt3A_191 : i1 to i32
      %cond3A_193 = arith.constant 0 : i32
      %cond3A_194 = arith.cmpi ne, %convert_element_type3A_192, %cond3A_193 : i32
      scf.if %cond3A_194 {
        %dma_wait3A_195 = arith.constant 3 : i32
        %dma_wait3A_196 = arith.constant 0 : i32
        %dma_wait3A_197 = arith.constant 0 : i32
        %dma_wait3A_198 = tpu.memref_slice %arg6[%dma_wait3A_195, %dma_wait3A_196, %dma_wait3A_197] : memref<4x80x128xf32, #tpu.memory_space<vmem>> -> memref<1x80x128xf32, #tpu.memory_space<vmem>>
        %dma_wait3A_199 = tpu.memref_squeeze %dma_wait3A_198 : memref<1x80x128xf32, #tpu.memory_space<vmem>> -> memref<80x128xf32, #tpu.memory_space<vmem>>
        %dma_wait3A_200 = arith.constant 0 : i32
        %dma_wait3A_201 = arith.constant 0 : i32
        %dma_wait3A_202 = tpu.memref_slice %arg2[%dma_wait3A_200, %dma_wait3A_201] : memref<10000x128xf32, #tpu.memory_space<hbm>> -> memref<10000x128xf32, #tpu.memory_space<hbm>>
        tpu.wait_indirect_dma semaphore(%arg27 : memref<!tpu.dma_semaphore, #tpu.memory_space<semaphore_mem>>) src(%dma_wait3A_202 : memref<10000x128xf32, #tpu.memory_space<hbm>>) dst(%dma_wait3A_199 : memref<80x128xf32, #tpu.memory_space<vmem>>)
        %dma_wait3A_203 = arith.constant 0 : i32
        %dma_wait3A_204 = tpu.memref_slice %arg4[%dma_wait3A_203] : memref<320000xi32, #tpu.memory_space<hbm>> -> memref<80xi32, #tpu.memory_space<hbm>>
        %dma_wait3A_205 = arith.constant 0 : i32
        %dma_wait3A_206 = tpu.memref_slice %arg4[%dma_wait3A_205] : memref<320000xi32, #tpu.memory_space<hbm>> -> memref<80xi32, #tpu.memory_space<hbm>>
        tpu.wait_dma2 semaphore(%arg25 : memref<!tpu.dma_semaphore, #tpu.memory_space<semaphore_mem>>) src(%dma_wait3A_206 : memref<80xi32, #tpu.memory_space<hbm>>) dst(%arg22 : memref<80xi32, #tpu.memory_space<vmem>>)
        %dma_start3A_207 = arith.constant 3 : i32
        %dma_start3A_208 = arith.constant 0 : i32
        %dma_start3A_209 = arith.constant 0 : i32
        %dma_start3A_210 = tpu.memref_slice %arg6[%dma_start3A_207, %dma_start3A_208, %dma_start3A_209] : memref<4x80x128xf32, #tpu.memory_space<vmem>> -> memref<1x80x128xf32, #tpu.memory_space<vmem>>
        %dma_start3A_211 = tpu.memref_squeeze %dma_start3A_210 : memref<1x80x128xf32, #tpu.memory_space<vmem>> -> memref<80x128xf32, #tpu.memory_space<vmem>>
        %dma_start3A_212 = arith.constant 0 : i32
        %dma_start3A_213 = arith.constant 0 : i32
        %dma_start3A_214 = tpu.memref_slice %arg23[%dma_start3A_212, %dma_start3A_213] : memref<10000x128xf32, #tpu.memory_space<vmem_shared>> -> memref<10000x128xf32, #tpu.memory_space<vmem_shared>>
        tpu.enqueue_indirect_dma source(%dma_start3A_211 : memref<80x128xf32, #tpu.memory_space<vmem>>) target(%dma_start3A_214 : memref<10000x128xf32, #tpu.memory_space<vmem_shared>>) offsets(%arg22 : memref<80xi32, #tpu.memory_space<vmem>>) semaphore(%arg28 : memref<!tpu.dma_semaphore, #tpu.memory_space<semaphore_mem>>) {add = true}
        %gt3A = arith.constant 0 : i32
        %gt3A_215 = arith.cmpi sgt, %add3A_189, %gt3A : i32
        %convert_element_type3A_216 = arith.extui %gt3A_215 : i1 to i32
        %cond3A_217 = arith.constant 0 : i32
        %cond3A_218 = arith.cmpi ne, %convert_element_type3A_216, %cond3A_217 : i32
        scf.if %cond3A_218 {
          %dma_wait3A_233 = arith.constant 0 : i32
          %dma_wait3A_234 = arith.constant 0 : i32
          %dma_wait3A_235 = arith.constant 0 : i32
          %dma_wait3A_236 = tpu.memref_slice %arg6[%dma_wait3A_233, %dma_wait3A_234, %dma_wait3A_235] : memref<4x80x128xf32, #tpu.memory_space<vmem>> -> memref<1x80x128xf32, #tpu.memory_space<vmem>>
          %dma_wait3A_237 = tpu.memref_squeeze %dma_wait3A_236 : memref<1x80x128xf32, #tpu.memory_space<vmem>> -> memref<80x128xf32, #tpu.memory_space<vmem>>
          %dma_wait3A_238 = arith.constant 0 : i32
          %dma_wait3A_239 = arith.constant 0 : i32
          %dma_wait3A_240 = tpu.memref_slice %arg23[%dma_wait3A_238, %dma_wait3A_239] : memref<10000x128xf32, #tpu.memory_space<vmem_shared>> -> memref<10000x128xf32, #tpu.memory_space<vmem_shared>>
          tpu.wait_indirect_dma semaphore(%arg28 : memref<!tpu.dma_semaphore, #tpu.memory_space<semaphore_mem>>) src(%dma_wait3A_237 : memref<80x128xf32, #tpu.memory_space<vmem>>) dst(%dma_wait3A_240 : memref<10000x128xf32, #tpu.memory_space<vmem_shared>>)
        } else {
        }
        %add3A_219 = arith.constant 7 : i32
        %add3A_220 = arith.addi %add3A_189, %add3A_219 : i32
        %lt3A_221 = arith.constant 125 : i32
        %lt3A_222 = arith.cmpi slt, %add3A_220, %lt3A_221 : i32
        %convert_element_type3A_223 = arith.extui %lt3A_222 : i1 to i32
        %cond3A_224 = arith.constant 0 : i32
        %cond3A_225 = arith.cmpi ne, %convert_element_type3A_223, %cond3A_224 : i32
        scf.if %cond3A_225 {
          %add3A_233 = arith.constant 7 : i32
          %add3A_234 = arith.addi %add3A_189, %add3A_233 : i32
          %mul3A_235 = arith.constant 80 : i32
          %mul3A_236 = arith.muli %add3A_234, %mul3A_235 : i32
          %add3A_237 = arith.addi %mul3A_2, %mul3A_236 : i32
          %dma_start3A_238 = tpu.memref_slice %arg3[%add3A_237] : memref<320000xi32, #tpu.memory_space<hbm>> -> memref<80xi32, #tpu.memory_space<hbm>>
          %dma_start3A_239 = tpu.memref_slice %arg3[%add3A_237] : memref<320000xi32, #tpu.memory_space<hbm>> -> memref<80xi32, #tpu.memory_space<hbm>>
          tpu.enqueue_dma source(%dma_start3A_239 : memref<80xi32, #tpu.memory_space<hbm>>) target(%arg13 : memref<80xi32, #tpu.memory_space<vmem>>) target_semaphore(%arg24 : memref<!tpu.dma_semaphore, #tpu.memory_space<semaphore_mem>>)
          %dma_start3A_240 = tpu.memref_slice %arg4[%add3A_237] : memref<320000xi32, #tpu.memory_space<hbm>> -> memref<80xi32, #tpu.memory_space<hbm>>
          %dma_start3A_241 = tpu.memref_slice %arg4[%add3A_237] : memref<320000xi32, #tpu.memory_space<hbm>> -> memref<80xi32, #tpu.memory_space<hbm>>
          tpu.enqueue_dma source(%dma_start3A_241 : memref<80xi32, #tpu.memory_space<hbm>>) target(%arg21 : memref<80xi32, #tpu.memory_space<vmem>>) target_semaphore(%arg25 : memref<!tpu.dma_semaphore, #tpu.memory_space<semaphore_mem>>)
        } else {
        }
        %add3A_226 = arith.constant 3 : i32
        %add3A_227 = arith.addi %add3A_189, %add3A_226 : i32
        %lt3A_228 = arith.constant 125 : i32
        %lt3A_229 = arith.cmpi slt, %add3A_227, %lt3A_228 : i32
        %convert_element_type3A_230 = arith.extui %lt3A_229 : i1 to i32
        %cond3A_231 = arith.constant 0 : i32
        %cond3A_232 = arith.cmpi ne, %convert_element_type3A_230, %cond3A_231 : i32
        scf.if %cond3A_232 {
          %dma_wait3A_233 = arith.constant 0 : i32
          %dma_wait3A_234 = tpu.memref_slice %arg3[%dma_wait3A_233] : memref<320000xi32, #tpu.memory_space<hbm>> -> memref<80xi32, #tpu.memory_space<hbm>>
          %dma_wait3A_235 = arith.constant 0 : i32
          %dma_wait3A_236 = tpu.memref_slice %arg3[%dma_wait3A_235] : memref<320000xi32, #tpu.memory_space<hbm>> -> memref<80xi32, #tpu.memory_space<hbm>>
          tpu.wait_dma2 semaphore(%arg24 : memref<!tpu.dma_semaphore, #tpu.memory_space<semaphore_mem>>) src(%dma_wait3A_236 : memref<80xi32, #tpu.memory_space<hbm>>) dst(%arg9 : memref<80xi32, #tpu.memory_space<vmem>>)
          %dma_start3A_237 = arith.constant 2 : i32
          %dma_start3A_238 = arith.constant 0 : i32
          %dma_start3A_239 = arith.constant 0 : i32
          %dma_start3A_240 = tpu.memref_slice %arg6[%dma_start3A_237, %dma_start3A_238, %dma_start3A_239] : memref<4x80x128xf32, #tpu.memory_space<vmem>> -> memref<1x80x128xf32, #tpu.memory_space<vmem>>
          %dma_start3A_241 = tpu.memref_squeeze %dma_start3A_240 : memref<1x80x128xf32, #tpu.memory_space<vmem>> -> memref<80x128xf32, #tpu.memory_space<vmem>>
          %dma_start3A_242 = arith.constant 0 : i32
          %dma_start3A_243 = arith.constant 0 : i32
          %dma_start3A_244 = tpu.memref_slice %arg2[%dma_start3A_242, %dma_start3A_243] : memref<10000x128xf32, #tpu.memory_space<hbm>> -> memref<10000x128xf32, #tpu.memory_space<hbm>>
          tpu.enqueue_indirect_dma source(%dma_start3A_244 : memref<10000x128xf32, #tpu.memory_space<hbm>>) target(%dma_start3A_241 : memref<80x128xf32, #tpu.memory_space<vmem>>) offsets(%arg9 : memref<80xi32, #tpu.memory_space<vmem>>) semaphore(%arg26 : memref<!tpu.dma_semaphore, #tpu.memory_space<semaphore_mem>>)
        } else {
        }
      } else {
      }
    }
    %scan3A_109 = arith.constant 16 : i32
    %dma_wait3A_110 = arith.constant 0 : i32
    %dma_wait3A_111 = arith.constant 0 : i32
    %dma_wait3A_112 = arith.constant 0 : i32
    %dma_wait3A_113 = tpu.memref_slice %arg6[%dma_wait3A_110, %dma_wait3A_111, %dma_wait3A_112] : memref<4x80x128xf32, #tpu.memory_space<vmem>> -> memref<1x80x128xf32, #tpu.memory_space<vmem>>
    %dma_wait3A_114 = tpu.memref_squeeze %dma_wait3A_113 : memref<1x80x128xf32, #tpu.memory_space<vmem>> -> memref<80x128xf32, #tpu.memory_space<vmem>>
    %dma_wait3A_115 = arith.constant 0 : i32
    %dma_wait3A_116 = arith.constant 0 : i32
    %dma_wait3A_117 = tpu.memref_slice %arg23[%dma_wait3A_115, %dma_wait3A_116] : memref<10000x128xf32, #tpu.memory_space<vmem_shared>> -> memref<10000x128xf32, #tpu.memory_space<vmem_shared>>
    tpu.wait_indirect_dma semaphore(%arg28 : memref<!tpu.dma_semaphore, #tpu.memory_space<semaphore_mem>>) src(%dma_wait3A_114 : memref<80x128xf32, #tpu.memory_space<vmem>>) dst(%dma_wait3A_117 : memref<10000x128xf32, #tpu.memory_space<vmem_shared>>)
    %barrier3A_118 = arith.constant 0 : index
    tpu.barrier barrier_id(%barrier3A_118)
    %scan3A_119 = arith.constant 0 : i32
    %scan3A_120 = arith.constant 0 : i32
    %scan3A_121 = arith.constant 8 : i32
    %scan3A_122 = arith.addi %scan3A_120, %scan3A_121 : i32
    %scan3A_123 = arith.constant 1 : i32
    scf.for %scan3A_125 = %scan3A_120 to %scan3A_122 step %scan3A_123  : i32 {
      %mul3A_126 = arith.constant 16 : i32
      %mul3A_127 = arith.muli %scan3A_125, %mul3A_126 : i32
      %add3A_128 = arith.addi %mul3A_127, %arg1 : i32
      %lt3A = arith.constant 125 : i32
      %lt3A_129 = arith.cmpi slt, %add3A_128, %lt3A : i32
      %convert_element_type3A = arith.extui %lt3A_129 : i1 to i32
      %cond3A = arith.constant 0 : i32
      %cond3A_130 = arith.cmpi ne, %convert_element_type3A, %cond3A : i32
      scf.if %cond3A_130 {
        %mul3A_131 = arith.constant 80 : i32
        %mul3A_132 = arith.muli %add3A_128, %mul3A_131 : i32
        %mul3A_133 = arith.constant 80 : i32
        %mul3A_134 = arith.muli %add3A_128, %mul3A_133 : i32
        "tpu.region"() ({
          %run_scoped3A = tpu.sem_alloc : memref<!tpu.dma_semaphore, #tpu.memory_space<semaphore_mem>>
          %dma_start3A_135 = arith.constant 0 : i32
          %dma_start3A_136 = arith.constant 0 : i32
          %dma_start3A_137 = tpu.memref_slice %arg5[%arg0, %dma_start3A_135, %dma_start3A_136] : memref<2x10000x128xf32, #tpu.memory_space<hbm>> -> memref<1x10000x128xf32, #tpu.memory_space<hbm>>
          %dma_start3A_138 = tpu.memref_squeeze %dma_start3A_137 : memref<1x10000x128xf32, #tpu.memory_space<hbm>> -> memref<10000x128xf32, #tpu.memory_space<hbm>>
          %dma_start3A_139 = arith.constant 0 : i32
          %dma_start3A_140 = tpu.memref_slice %dma_start3A_138[%mul3A_134, %dma_start3A_139] : memref<10000x128xf32, #tpu.memory_space<hbm>> -> memref<80x128xf32, #tpu.memory_space<hbm>>
          %dma_start3A_141 = arith.constant 0 : i32
          %dma_start3A_142 = tpu.memref_slice %arg23[%mul3A_132, %dma_start3A_141] : memref<10000x128xf32, #tpu.memory_space<vmem_shared>> -> memref<80x128xf32, #tpu.memory_space<vmem_shared>>
          tpu.enqueue_dma source(%dma_start3A_142 : memref<80x128xf32, #tpu.memory_space<vmem_shared>>) target(%dma_start3A_140 : memref<80x128xf32, #tpu.memory_space<hbm>>) target_semaphore(%run_scoped3A : memref<!tpu.dma_semaphore, #tpu.memory_space<semaphore_mem>>)
          %dma_wait3A_143 = arith.constant 0 : i32
          %dma_wait3A_144 = arith.constant 0 : i32
          %dma_wait3A_145 = tpu.memref_slice %arg5[%arg0, %dma_wait3A_143, %dma_wait3A_144] : memref<2x10000x128xf32, #tpu.memory_space<hbm>> -> memref<1x10000x128xf32, #tpu.memory_space<hbm>>
          %dma_wait3A_146 = tpu.memref_squeeze %dma_wait3A_145 : memref<1x10000x128xf32, #tpu.memory_space<hbm>> -> memref<10000x128xf32, #tpu.memory_space<hbm>>
          %dma_wait3A_147 = arith.constant 0 : i32
          %dma_wait3A_148 = tpu.memref_slice %dma_wait3A_146[%mul3A_134, %dma_wait3A_147] : memref<10000x128xf32, #tpu.memory_space<hbm>> -> memref<80x128xf32, #tpu.memory_space<hbm>>
          %dma_wait3A_149 = arith.constant 0 : i32
          %dma_wait3A_150 = tpu.memref_slice %arg23[%mul3A_132, %dma_wait3A_149] : memref<10000x128xf32, #tpu.memory_space<vmem_shared>> -> memref<80x128xf32, #tpu.memory_space<vmem_shared>>
          tpu.wait_dma2 semaphore(%run_scoped3A : memref<!tpu.dma_semaphore, #tpu.memory_space<semaphore_mem>>) src(%dma_wait3A_150 : memref<80x128xf32, #tpu.memory_space<vmem_shared>>) dst(%dma_wait3A_148 : memref<80x128xf32, #tpu.memory_space<hbm>>)
          tpu.yield
        }) : () -> ()
      } else {
      }
    }
    %scan3A_124 = arith.constant 8 : i32
    return
  }
}

module attributes {stable_mosaic.version = 14 : i64} {
  func.func @_mm_disc_body(%arg0: memref<10000x128xf32, #tpu.memory_space<vmem>>, %arg1: memref<128x128xf32, #tpu.memory_space<vmem>>, %arg2: memref<1x128xf32, #tpu.memory_space<vmem>>, %arg3: memref<10000x128xf32, #tpu.memory_space<vmem>>) attributes {dimension_semantics = [], scalar_prefetch = 0 : i64, scratch_operands = 0 : i64, tpu.core_type = #tpu.core_type<tc>} {
    %get3A = arith.constant 0 : index
    %get3A_0 = arith.constant 0 : index
    %get3A_1 = vector.load %arg0[%get3A, %get3A_0] : memref<10000x128xf32, #tpu.memory_space<vmem>>, vector<10000x128xf32>
    %get3A_2 = arith.constant 0 : index
    %get3A_3 = arith.constant 0 : index
    %get3A_4 = vector.load %arg1[%get3A_2, %get3A_3] : memref<128x128xf32, #tpu.memory_space<vmem>>, vector<128x128xf32>
    %dot_general3A = arith.constant dense<0.000000e+00> : vector<10000x128xf32>
    %dot_general3A_5 = tpu.matmul %get3A_1, %get3A_4, %dot_general3A {dimension_numbers = #tpu.dot_dimension_numbers<[1], [0], [0], [1], [0, 0, 1, 1], [], []>, transpose_lhs_hint = false} : vector<10000x128xf32>, vector<128x128xf32>, vector<10000x128xf32> -> vector<10000x128xf32>
    %get3A_6 = arith.constant 0 : index
    %get3A_7 = arith.constant 0 : index
    %get3A_8 = vector.load %arg2[%get3A_6, %get3A_7] : memref<1x128xf32, #tpu.memory_space<vmem>>, vector<1x128xf32>
    %add3A = vector.broadcast %get3A_8 : vector<1x128xf32> to vector<10000x128xf32>
    %add3A_9 = arith.addf %dot_general3A_5, %add3A : vector<10000x128xf32>
    %swap3A = arith.constant 0 : index
    %swap3A_10 = arith.constant 0 : index
    %swap3A_11 = vector.load %arg3[%swap3A, %swap3A_10] : memref<10000x128xf32, #tpu.memory_space<vmem>>, vector<10000x128xf32>
    tpu.vector_store %arg3[%swap3A, %swap3A_10], %add3A_9 {strides = array<i32>} : memref<10000x128xf32, #tpu.memory_space<vmem>>, vector<10000x128xf32>,
    return
  }
}

module attributes {stable_mosaic.version = 14 : i64} {
  func.func @_mm_inc_body(%arg0: memref<2x10000x128xf32, #tpu.memory_space<vmem>>, %arg1: memref<128x128xf32, #tpu.memory_space<vmem>>, %arg2: memref<1x128xf32, #tpu.memory_space<vmem>>, %arg3: memref<10000x128xf32, #tpu.memory_space<vmem>>) attributes {dimension_semantics = [], scalar_prefetch = 0 : i64, scratch_operands = 0 : i64, tpu.core_type = #tpu.core_type<tc>} {
    %get3A = arith.constant 0 : index
    %get3A_0 = arith.constant 0 : index
    %get3A_1 = arith.constant 0 : index
    %get3A_2 = vector.load %arg0[%get3A, %get3A_0, %get3A_1] : memref<2x10000x128xf32, #tpu.memory_space<vmem>>, vector<1x10000x128xf32>
    %get3A_3 = vector.shape_cast %get3A_2 : vector<1x10000x128xf32> to vector<10000x128xf32>
    %get3A_4 = arith.constant 1 : index
    %get3A_5 = arith.constant 0 : index
    %get3A_6 = arith.constant 0 : index
    %get3A_7 = vector.load %arg0[%get3A_4, %get3A_5, %get3A_6] : memref<2x10000x128xf32, #tpu.memory_space<vmem>>, vector<1x10000x128xf32>
    %get3A_8 = vector.shape_cast %get3A_7 : vector<1x10000x128xf32> to vector<10000x128xf32>
    %add3A = arith.addf %get3A_3, %get3A_8 : vector<10000x128xf32>
    %get3A_9 = arith.constant 0 : index
    %get3A_10 = arith.constant 0 : index
    %get3A_11 = vector.load %arg1[%get3A_9, %get3A_10] : memref<128x128xf32, #tpu.memory_space<vmem>>, vector<128x128xf32>
    %dot_general3A = arith.constant dense<0.000000e+00> : vector<10000x128xf32>
    %dot_general3A_12 = tpu.matmul %add3A, %get3A_11, %dot_general3A {dimension_numbers = #tpu.dot_dimension_numbers<[1], [0], [0], [1], [0, 0, 1, 1], [], []>, transpose_lhs_hint = false} : vector<10000x128xf32>, vector<128x128xf32>, vector<10000x128xf32> -> vector<10000x128xf32>
    %get3A_13 = arith.constant 0 : index
    %get3A_14 = arith.constant 0 : index
    %get3A_15 = vector.load %arg2[%get3A_13, %get3A_14] : memref<1x128xf32, #tpu.memory_space<vmem>>, vector<1x128xf32>
    %add3A_16 = vector.broadcast %get3A_15 : vector<1x128xf32> to vector<10000x128xf32>
    %add3A_17 = arith.addf %dot_general3A_12, %add3A_16 : vector<10000x128xf32>
    %max3A = arith.constant 0.000000e+00 : f32
    %max3A_18 = vector.broadcast %max3A : f32 to vector<10000x128xf32>
    %max3A_19 = arith.maximumf %add3A_17, %max3A_18 : vector<10000x128xf32>
    %swap3A = arith.constant 0 : index
    %swap3A_20 = arith.constant 0 : index
    %swap3A_21 = vector.load %arg3[%swap3A, %swap3A_20] : memref<10000x128xf32, #tpu.memory_space<vmem>>, vector<10000x128xf32>
    tpu.vector_store %arg3[%swap3A, %swap3A_20], %max3A_19 {strides = array<i32>} : memref<10000x128xf32, #tpu.memory_space<vmem>>, vector<10000x128xf32>,
    return
  }
}

</mosaic_0001>

<sc_bundles>
// kernel: kernel.5.cloned.1.call-start
scs
__scs_entry_jumppad:
0x0: {  	(pc) =	sbr.rel $0x88, $3  }
0x1: {  	(tag) =	ssettag $0x0;
	lr =	simm.s32 $0x1  }
0x2: {  	[smem:$0x3F9B] =	sst lr;
	_ =	strace $0xD0000000  }
0x3: {  	_ = 	snop  }
0x4: {  	_ = 	snop  }
0x5: {  	_ = 	snop  }
0x6: {  	_ = 	snop  }
0x7: {  	_ = 	snop  }
__scs_overlays_trampoline_lowered:
0x8: {  	[smem:$0x3FAA] =	sst s0  }
0x9: {  	[smem:$0x3FAB] =	sst s1  }
0xa: {  	[smem:$0x3FAC] =	sst s2  }
0xb: {  	[smem:$0x3FAD] =	sst s3  }
0xc: {  	[smem:$0x3FAE] =	sst s4  }
0xd: {  	[smem:$0x3FAF] =	sst s5  }
0xe: {  	[smem:$0x3FB0] =	sst s6  }
0xf: {  	[smem:$0x3FB1] =	sst s7  }
0x10: {  	[smem:$0x3FB2] =	sst s8  }
0x11: {  	[smem:$0x3FB3] =	sst s9;
	s0 =	simm.s32 @!p0 $0x0  }
0x12: {  	s1 =	sld [smem:$0x3F99];
	s0 =	simm.s32 @p0 $0x1  }
0x13: {  	[smem:$0x3FB4] =	sst s0;
	s0 =	simm.s32 @!p1 $0x0  }
0x14: {  	s2 =	sld [smem:$0x3F98];
	s0 =	simm.s32 @p1 $0x1  }
0x15: {  	[smem:$0x3FB5] =	sst s0;
	s0 =	simm.s32 @!p2 $0x0  }
0x16: {  	s3 =	sld [smem:$0x3FDB];
	s0 =	simm.s32 @p2 $0x1  }
0x17: {  	s4 =	simm.s32 $0x1BF5;
	[smem:$0x3FB7] =	sst s0  }
0x18: {  	s0 =	sld [smem:$0x3F9A];
	_ =	swait.ge [sflag:s4], $0x0  }
0x19: {  	s7 =	sld [smem:$0x3F9B]  }
0x1a: {  	s8 =	sadd.s32 $0xFFFFE003, lr  }
0x1b: {  	s9 =	sadd.s32 $0xFFFFFEF7, lr;
	s5 =	simm.s32 $0xFFFFFFFF;
	p2 =	slt.u32 s8, $0xFFFFF086  }
0x1c: {  	p1 =	slt.u32 s9, $0xF7A;
	s5 =	simm.s32 @!p2 $0x0  }
0x1d: {  	s5 =	simm.s32 @p1 $0x1;
	p0 =	seq.s32 s7, s2  }
0x1e: {  	s7 =	smul.u32 @!p0 $0xF7A, s2;
	p2 =	seq.s32 @!p0 s5, $0x0  }
0x1f: {  	s9 =	smul.u32 $0xF7A, s1;
	s8 =	simm.s32 @!p0 $0x1BF5;
	p2 =	por !p2, p0  }
0x20: {  	[sflag:s8] =	ssyncset.s32 @!p0 $0xFFFFF086;
	s6 =	sadd.s32 @!p0 s3, s7;
	s7 =	simm.s32 @!p0 $0x108  }
0x21: {  	s3 =	sadd.s32 s3, s9;
	s6 =	sadd.s32 @!p0 $0x88, s6;
	s7 =	simm.s32 @p2 $0x1082  }
0x22: {  	[simem:s7], [sflag:s8] =	dma.local @!p0 [hbm:s6], $0xF7A  }
0x23: {  	s9 =	sor.u32 $0xD0000000, s2;
	s6 =	simm.s32 $0x108;
	_ =	swait.ge @!p0 [sflag:s8], $0x0  }
0x24: {  	s3 =	sadd.s32 $0x88, s3;
	s6 =	simm.s32 @!p1 $0x1082;
	[sflag:s4] =	ssyncset.s32 $0xFFFFF086  }
0x25: {  	[simem:s6], [sflag:s4] =	dma.local [hbm:s3], $0xF7A  }
0x26: {  	[smem:$0x3F9B] =	sst s1;
	(tag) =	ssettag s2;
	_ =	strace s9  }
0x27: {  	s1 =	sld [smem:$0x3FAB]  }
0x28: {  	s2 =	sld [smem:$0x3FAC]  }
0x29: {  	s4 =	sld [smem:$0x3FAE]  }
0x2a: {  	p0 =	seq.s32 s5, $0x0;
	s5 =	sld [smem:$0x3FAF]  }
0x2b: {  	s6 =	sld [smem:$0x3FB0]  }
0x2c: {  	s7 =	sld [smem:$0x3FB1]  }
0x2d: {  	s3 =	simm.s32 $0x108;
	s8 =	sld [smem:$0x3FB2]  }
0x2e: {  	s3 =	simm.s32 @!p0 $0x1082;
	s9 =	sld [smem:$0x3FB3]  }
0x2f: {  	lr =	sadd.s32 s0, s3;
	s0 =	sld [smem:$0x3FAA]  }
0x30: {  	s3 =	sld [smem:$0x3FAD]  }
0x31: {  	[smem:$0x3FB6] =	sst s10  }
0x32: {  	s10 =	sld [smem:$0x3FB4];
	_ =	sdelay $0x3  }
0x33: {  	p0 =	seq.s32 s10, $0x1;
	s10 =	sld [smem:$0x3FB6];
	_ =	sdelay $0x3  }
0x34: {  	[smem:$0x3FB6] =	sst s10  }
0x35: {  	s10 =	sld [smem:$0x3FB5];
	_ =	sdelay $0x3  }
0x36: {  	p1 =	seq.s32 s10, $0x1;
	s10 =	sld [smem:$0x3FB6];
	_ =	sdelay $0x3  }
0x37: {  	[smem:$0x3FB6] =	sst s10  }
0x38: {  	s10 =	sld [smem:$0x3FB7]  }
0x39: {  	_ = 	snop;
	(pc) =	sbr.ind lr, $3  }
0x3a: {  	_ = 	snop  }
0x3b: {  	_ = 	snop  }
0x3c: {  	p2 =	seq.s32 s10, $0x1;
	s10 =	sld [smem:$0x3FB6]  }
0x3d: {  	_ =	shalt  }
0x3e: {  	_ =	shalt  }
0x3f: {  	_ =	shalt  }
0x40: {  	_ =	shalt  }
0x41: {  	_ =	shalt  }
0x42: {  	_ =	shalt  }
0x43: {  	_ =	shalt  }
0x44: {  	_ =	shalt  }
0x45: {  	_ =	shalt  }
0x46: {  	_ =	shalt  }
0x47: {  	_ =	shalt  }
0x48: {  	_ =	shalt  }
0x49: {  	_ =	shalt  }
0x4a: {  	_ =	shalt  }
0x4b: {  	_ =	shalt  }
0x4c: {  	_ =	shalt  }
0x4d: {  	_ =	shalt  }
0x4e: {  	_ =	shalt  }
0x4f: {  	_ =	shalt  }
0x50: {  	_ =	shalt  }
0x51: {  	_ =	shalt  }
0x52: {  	_ =	shalt  }
0x53: {  	_ =	shalt  }
0x54: {  	_ =	shalt  }
0x55: {  	_ =	shalt  }
0x56: {  	_ =	shalt  }
0x57: {  	_ =	shalt  }
0x58: {  	_ =	shalt  }
0x59: {  	_ =	shalt  }
0x5a: {  	_ =	shalt  }
0x5b: {  	_ =	shalt  }
0x5c: {  	_ =	shalt  }
0x5d: {  	_ =	shalt  }
0x5e: {  	_ =	shalt  }
0x5f: {  	_ =	shalt  }
0x60: {  	_ =	shalt  }
0x61: {  	_ =	shalt  }
0x62: {  	_ =	shalt  }
0x63: {  	_ =	shalt  }
0x64: {  	_ =	shalt  }
0x65: {  	_ =	shalt  }
0x66: {  	_ =	shalt  }
0x67: {  	_ =	shalt  }
0x68: {  	_ =	shalt  }
0x69: {  	_ =	shalt  }
0x6a: {  	_ =	shalt  }
0x6b: {  	_ =	shalt  }
0x6c: {  	_ =	shalt  }
0x6d: {  	_ =	shalt  }
0x6e: {  	_ =	shalt  }
0x6f: {  	_ =	shalt  }
0x70: {  	_ =	shalt  }
0x71: {  	_ =	shalt  }
0x72: {  	_ =	shalt  }
0x73: {  	_ =	shalt  }
0x74: {  	_ =	shalt  }
0x75: {  	_ =	shalt  }
0x76: {  	_ =	shalt  }
0x77: {  	_ =	shalt  }
0x78: {  	_ =	shalt  }
0x79: {  	_ =	shalt  }
0x7a: {  	_ =	shalt  }
0x7b: {  	_ =	shalt  }
0x7c: {  	_ =	shalt  }
0x7d: {  	_ =	shalt  }
0x7e: {  	_ =	shalt  }
0x7f: {  	_ =	shalt  }
0x80: {  	_ =	shalt  }
0x81: {  	_ =	shalt  }
0x82: {  	_ =	shalt  }
0x83: {  	_ =	shalt  }
0x84: {  	_ =	shalt  }
0x85: {  	_ =	shalt  }
0x86: {  	_ =	shalt  }
0x87: {  	_ =	shalt  }
.Lfunc_end0:
.L_simem_size_0:
called_computation_lowered:
.L_overlay_start_0:
0x88: {  	s2 =	sld [smem:$0x3FD9]  }
0x89: {  	s3 =	sld [smem:$0x3FFE];
	_ =	sdelay $0x1  }
0x8a: {  	s1 =	srdreg.scid  }
0x8b: {  	s0 =	sand.u32 $0x1, s1  }
0x8c: {  	s17 =	sshll.u32 s0, $0xA;
	s2 =	sadd.s32 s3, s2  }
0x8d: {  	s2 =	sadd.s32 s2, s17  }
0x8e: {  	[smem:$0x3FC2] =	sst s2  }
0x8f: {  	_ = 	snop  }
0x90: {  	s2 =	sld [smem:$0x3FD0];
	(tm) =	ssettm $0x1  }
0x91: {  	s18 =	sld [smem:$0x3FFB];
	_ =	sdelay $0x3  }
0x92: {  	_ =	strace s18  }
0x93: {  	s3 =	sld [smem:$0x3FFC];
	_ =	sdelay $0x3  }
0x94: {  	_ =	strace s3  }
0x95: {  	s3 =	sld [smem:$0x3FFD];
	_ =	sdelay $0x3  }
0x96: {  	_ =	strace s3  }
0x97: {  	_ =	strace $0x8FFFFFFF  }
0x98: {  	s19 =	sld [smem:$0x3FDB];
	_ =	sdelay $0x1  }
0x99: {  	s4 =	simm.s32 $_scs_section_size  }
0x9a: {  	s5 =	simm.s32 $_size__tile_overlayer_lowered;
	s6 =	simm.s32 $_tile_overlayer_lowered  }
0x9b: {  	s22 =	simm.s32 $0x1BFF;
	s21 =	sshll.u32 s6, $0x1;
	s3 =	sadd.s32 s4, s19  }
0x9c: {  	s7 =	simm.s32 $0x0;
	s20 =	sshll.u32 s5, $0x1;
	s5 =	sadd.s32 s21, s3  }
0x9d: {  	[timem:s7], [sflag:s22] =	dma.local [hbm:s5], s20  }
0x9e: {  	_ =	swait.ge [sflag:s22], s20  }
0x9f: {  	s4 =	ssub.s32 $0x0, s20;
	[sflag:s22] =	ssyncset.done $0x0  }
0xa0: {  	[sflag:s22] =	ssyncadd.s32 s4;
	_ =	sdelay $0x1  }
0xa1: {  	s23 =	simm.s32 $0x1B8B  }
0xa2: {  	_ =	swait.ge [sflag:s23], $0x1  }
0xa3: {  	[sflag:s23] =	ssyncset.done $0x0  }
0xa4: {  	s25 =	simm.s32 $0x1B8E;
	s24 =	sld [smem:$0x3FFE];
	[sflag:s23] =	ssyncadd.s32 $0xFFFFFFFF  }
0xa5: {  	s26 =	simm.s32 $execute0_lowered;
	[smem:$0x3FD2] =	sst s25  }
0xa6: {  	s5 =	sshll.u32 s26, $0x1;
	_ =	strace $0x80000046;
	[dreg:$0x1] =	wrdreg $0xFFFFFFFF  }
0xa7: {  	s28 =	simm.s32 $_size_execute0_lowered;
	s3 =	sadd.s32 s3, s5;
	[dreg:$0x0] =	wrdreg $0x0  }
0xa8: {  	s5 =	sshll.u32 s28, $0x1;
	[dreg:$0x2] =	wrdreg s3  }
0xa9: {  	[dreg:$0x3] =	wrdreg s5  }
0xaa: {  	[dreg:$0x4] =	wrdreg $0xC0  }
0xab: {  	_ =	task [dreg:s7], $0x5FFFF  }
0xac: {  	[dreg:$0x1] =	wrdreg $0xFFFFFFFF  }
0xad: {  	[dreg:$0x0] =	wrdreg $0x60  }
0xae: {  	[dreg:$0x2] =	wrdreg s2  }
0xaf: {  	[dreg:$0x3] =	wrdreg s24  }
0xb0: {  	[dreg:$0x4] =	wrdreg $0xA8000  }
0xb1: {  	[dreg:$0x5] =	wrdreg $0x9  }
0xb2: {  	_ =	task.clear_ibuf [dreg:s7], $0x6FFFF;
	_ =	strace $0x90000046  }
0xb3: {  	s29 =	simm.s32 $0x9;
	_ =	strace $0x80000048  }
0xb4: {  	_ =	swait.ge [sflag:s29], $0x1  }
0xb5: {  	[sflag:s29] =	ssyncadd.s32 $0xFFFFFFFF  }
0xb6: {  	_ =	strace $0x90000048  }
0xb7: {  	_ =	sfence  }
0xb8: {  	s30 =	sld [smem:$0x0];
	_ =	sdelay $0x2  }
0xb9: {  	s31 =	sshll.u32 s1, $0xD;
	s1 =	sshrl.u32 s1, $0x2  }
0xba: {  	s3 =	sand.u32 $0x4000, s31;
	s1 =	sadd.s32 s1, s30  }
0xbb: {  	s0 =	sor.u32 s3, s0;
	s1 =	sshll.u32 s1, $0x11  }
0xbc: {  	s0 =	sor.u32 s1, s0  }
0xbd: {  	s0 =	sadd.s32 $0x8F2B, s0  }
0xbe: {  	[sflag:s0] =	ssyncadd.remote.s32 $0x1  }
0xbf: {  	_ =	sfence.sel $0xFFFF  }
0xc0: {  	[dreg:$0x0] =	wrdreg $0xFFFFFFFF;
	(pc) =	sbr.abs _section_cstart, $3  }
0xc1: {  	[dreg:$0x1] =	wrdreg $0xFFFFFFFF  }
0xc2: {  	_ =	task.clear_ibuf [dreg:s7], $0x2FFFF;
	_ =	strace $0x9FFFFFFF  }
0xc3: {  	(tm) =	ssettm $0x7FFFFFFF  }
tec
execute0_lowered:
.L_overlay_start_1:
0x0: {  	(tag) =	ssettag $0x1  }
0x1: {  	s0 =	srdreg.scid  }
0x2: {  	s1 =	rddreg [dreg:$0x0];
	s23 =	stileid.u32  }
0x3: {  	s4 =	rddreg [dreg:$0x1];
	s7 =	smul.u32 $0x500, s23  }
0x4: {  	s3 =	rddreg [dreg:$0x2];
	s0 =	sand.u32 $0x1, s0;
	s25 =	smul.u32 $0x2710, s23  }
0x5: {  	s5 =	simm.s32 $0x0;
	s8 =	sor.u32 $0x20, s23;
	s6 =	smul.u32 $0x27100, s0  }
0x6: {  	s30 =	simm.s32 $0x5;
	s10 =	sor.u32 $0x30, s23;
	s11 =	smul.u32 $0x500, s8  }
0x7: {  	[smem:$0x7FF] =	sst s5;
	s12 =	sor.u32 $0x40, s23;
	s13 =	smul.u32 $0x500, s10  }
0x8: {  	s16 =	sor.u32 $0x50, s23;
	s19 =	sor.u32 $0x60, s23;
	s14 =	smul.u32 $0x500, s12  }
0x9: {  	s21 =	sor.u32 $0x70, s23;
	s2 =	sshll.u32 s0, $0x4;
	s18 =	smul.u32 $0x500, s16  }
0xa: {  	_ =	strace $0x80000047;
	s0 =	ssub.s32 $0x2, s0;
	s22 =	smul.u32 $0x500, s19  }
0xb: {  	p0 =	sgt.u32 s21, $0x7C;
	s10 =	smul.u32 $0xA000, s10;
	s2 =	sor.u32 s23, s2  }
0xc: {  	s17 =	sshrl.u32 s0, $0x1;
	s20 =	smul.u32 $0x2710, s2;
	s15 =	sadd.s32 s6, s4  }
0xd: {  	s2 =	sor.u32 $0x10, s23;
	s17 =	ssub.s32 s0, s17;
	s15 =	sadd.s32 $0x14600, s15  }
0xe: {  	s0 =	sadd.s32 s25, s6;
	[dreg:$0x4] =	wrdreg s20;
	s7 =	sadd.s32 s7, s15  }
0xf: {  	s6 =	smul.u32 $0x500, s21;
	s31 =	sadd.s32 s11, s15;
	[dreg:$0x5] =	wrdreg s7  }
0x10: {  	s9 =	smul.u32 $0x500, s2;
	s11 =	sadd.s32 s14, s15;
	[dreg:$0x7] =	wrdreg s31  }
0x11: {  	s2 =	smul.u32 $0xA000, s2;
	s14 =	sadd.s32 s22, s15;
	[dreg:$0x9] =	wrdreg s11  }
0x12: {  	s20 =	sshrl.u32 s20, $0x3;
	s6 =	sadd.s32 @!p0 s6, s15;
	[dreg:$0xb] =	wrdreg s14  }
0x13: {  	s26 =	sadd.s32 s9, s15;
	s9 =	sadd.s32 s13, s15;
	[dreg:$0xc] =	wrdreg s6  }
0x14: {  	s13 =	sadd.s32 s18, s15;
	s14 =	sadd.s32 $0xA800, s4;
	[dreg:$0x6] =	wrdreg s26  }
0x15: {  	s15 =	sadd.s32 $0xA00, s4;
	s18 =	sadd.s32 $0xA, s20;
	[dreg:$0x8] =	wrdreg s9  }
0x16: {  	s24 =	sadd.s32 $0x14, s20;
	[dreg:$0xa] =	wrdreg s13;
	s22 =	sadd.s32 s14, s18  }
0x17: {  	s7 =	sadd.s32 $0x28, s20;
	s4 =	sadd.s32 s15, s18;
	[dreg:$0xd] =	wrdreg s22  }
0x18: {  	s11 =	sadd.s32 $0x32, s20;
	s25 =	sadd.s32 s14, s24;
	[dreg:$0xe] =	wrdreg s4  }
0x19: {  	s2 =	sshrl.u32 s2, $0x2;
	s9 =	sadd.s32 s14, s7;
	[dreg:$0xf] =	wrdreg s25  }
0x1a: {  	s6 =	simm.s32 $0x0;
	s13 =	sadd.s32 s14, s11;
	[dreg:$0x13] =	wrdreg s9  }
0x1b: {  	s26 =	sadd.s32 $0x1E, s20;
	s18 =	sadd.s32 s14, s20;
	[dreg:$0x15] =	wrdreg s13  }
0x1c: {  	s4 =	sadd.s32 s15, s24;
	s31 =	sadd.s32 s14, s26;
	[dreg:$0x17] =	wrdreg s18  }
0x1d: {  	s22 =	sadd.s32 s15, s20;
	s25 =	smul.u32 $0xA000, s23;
	[dreg:$0x10] =	wrdreg s4  }
0x1e: {  	s24 =	sadd.s32 $0x3C, s20;
	s9 =	smul.u32 $0xA000, s8;
	[dreg:$0x11] =	wrdreg s31  }
0x1f: {  	s18 =	smul.u32 $0xA000, s12;
	s4 =	sadd.s32 s15, s26;
	[dreg:$0x18] =	wrdreg s22  }
0x20: {  	s20 =	sshrl.u32 s10, $0x2;
	s26 =	sadd.s32 s14, s24;
	[dreg:$0x12] =	wrdreg s4  }
0x21: {  	s31 =	smax.u32 s17, $0x1;
	s22 =	smul.u32 $0xA000, s16;
	[dreg:$0x19] =	wrdreg s26  }
0x22: {  	s16 =	sadd.s32 s20, s3;
	s4 =	sadd.s32 s15, s7;
	[dreg:$0x1b] =	wrdreg s31  }
0x23: {  	s7 =	sshrl.u32 s25, $0x2;
	s17 =	sshrl.u32 s9, $0x2;
	s23 =	sshrl.u32 s18, $0x2  }
0x24: {  	s31 =	smul.u32 $0xA000, s21;
	s9 =	sadd.s32 $0x460, s0;
	[dreg:$0x1f] =	wrdreg s16  }
0x25: {  	s18 =	sadd.s32 $0x410, s0;
	s21 =	sadd.s32 $0x370, s0;
	[dreg:$0x14] =	wrdreg s4  }
0x26: {  	s4 =	sadd.s32 s15, s11;
	s7 =	sadd.s32 s7, s3;
	s11 =	sadd.s32 s2, s3  }
0x27: {  	s13 =	sadd.s32 s17, s3;
	s26 =	sadd.s32 s23, s3;
	[dreg:$0x16] =	wrdreg s4  }
0x28: {  	s25 =	sshrl.u32 s22, $0x2;
	s12 =	sshrl.u32 s9, $0x3;
	[dreg:$0x1c] =	wrdreg s7  }
0x29: {  	s22 =	sshrl.u32 s21, $0x3;
	s23 =	sadd.s32 $0x320, s0;
	[dreg:$0x1d] =	wrdreg s11  }
0x2a: {  	s9 =	simm.s32 $0x1;
	s4 =	sadd.s32 s15, s24;
	[dreg:$0x1e] =	wrdreg s13  }
0x2b: {  	s24 =	smul.u32 $0xA000, s19;
	s28 =	sadd.s32 s25, s3;
	[smem:$0x7FB] =	sst s26  }
0x2c: {  	s17 =	sadd.s32 s12, s15;
	s19 =	sadd.s32 $0x3C0, s0;
	[dreg:$0x1a] =	wrdreg s4  }
0x2d: {  	s25 =	sadd.s32 $0x2D0, s0;
	s0 =	sadd.s32 $0x280, s0;
	[smem:$0x7F7] =	sst s17  }
0x2e: {  	s10 =	sshrl.u32 s31, $0x2;
	s21 =	sadd.s32 s22, s14;
	[smem:$0x7FA] =	sst s0  }
0x2f: {  	s2 =	sadd.s32 s10, s3;
	s4 =	sadd.s32 s12, s14;
	[smem:$0x7FC] =	sst s28  }
0x30: {  	s31 =	sshrl.u32 s25, $0x3;
	s10 =	simm.s32 $0x50;
	[smem:$0x7F6] =	sst s2  }
0x31: {  	s12 =	simm.s32 $0x2;
	s8 =	sshrl.u32 s24, $0x2;
	[smem:$0x7F8] =	sst s4  }
0x32: {  	s2 =	sshrl.u32 s18, $0x3;
	s4 =	sshrl.u32 s19, $0x3;
	s24 =	sshrl.u32 s23, $0x3  }
.Ltmp0:
0x33: {  	s25 =	sadd.s32 s31, s14;
	s29 =	sadd.s32 s8, s3;
	(pc) =	sbr.rel .LBB2_1-.Ltmp0, $4  }
0x34: {  	s20 =	sadd.s32 s2, s15;
	s17 =	sadd.s32 s2, s14;
	s18 =	sadd.s32 s4, s15  }
0x35: {  	s19 =	sadd.s32 s4, s14;
	s23 =	sadd.s32 s24, s14;
	s8 =	simm.s32 $0x3  }
0x36: {  	s4 =	simm.s32 $0x4;
	[smem:$0x7F9] =	sst s20;
	s20 =	sadd.s32 s22, s15  }
0x37: {  	v0 =	vimm.f32 $0.0e+00;
	s22 =	sadd.s32 s24, s15;
	s24 =	sadd.s32 s31, s15;
	[smem:$0x7FD] =	sst s29  }
.LBB2_12:
0x38: {  	_ =	swait.ge [sflag:s30], $0x2800  }
0x39: {  	[sflag:s30] =	ssyncset.done $0x0  }
0x3a: {  	[sflag:s30] =	ssyncadd.s32 $0xFFFFD800  }
0x3b: {  	s0 =	stileid.u32;
	[bflag:$0x0] =	sbarrier.arrive $0xFFFF  }
0x3c: {  	s31 =	simm.s32 $0x6;
	s0 =	sshll.u32 s0, $0x6;
	s7 =	rddreg [dreg:$0x1c]  }
0x3d: {  	s0 =	sor.u32 $0x1C06, s0;
	s6 =	rddreg [dreg:$0x5];
	s2 =	sshrl.u32 s7, $0x3  }
0x3e: {  	[hbm:s6], [sflag:s0] =	dma.local [spmem:s2], $0x500  }
0x3f: {  	_ =	swait.ge [sflag:s31], $0x500  }
0x40: {  	[sflag:s31] =	ssyncset.done $0x0;
	s11 =	rddreg [dreg:$0x1d]  }
0x41: {  	s13 =	rddreg [dreg:$0x6];
	[sflag:s31] =	ssyncadd.s32 $0xFFFFFB00;
	s6 =	sshrl.u32 s11, $0x3  }
0x42: {  	[hbm:s13], [sflag:s0] =	dma.local [spmem:s6], $0x500  }
0x43: {  	_ =	swait.ge [sflag:s31], $0x500  }
0x44: {  	[sflag:s31] =	ssyncset.done $0x0;
	s13 =	rddreg [dreg:$0x1e]  }
0x45: {  	s26 =	rddreg [dreg:$0x7];
	[sflag:s31] =	ssyncadd.s32 $0xFFFFFB00;
	s16 =	sshrl.u32 s13, $0x3  }
0x46: {  	[hbm:s26], [sflag:s0] =	dma.local [spmem:s16], $0x500  }
0x47: {  	_ =	swait.ge [sflag:s31], $0x500  }
0x48: {  	[sflag:s31] =	ssyncset.done $0x0;
	s16 =	rddreg [dreg:$0x1f]  }
0x49: {  	s26 =	rddreg [dreg:$0x8];
	[sflag:s31] =	ssyncadd.s32 $0xFFFFFB00;
	s6 =	sshrl.u32 s16, $0x3  }
0x4a: {  	[hbm:s26], [sflag:s0] =	dma.local [spmem:s6], $0x500  }
0x4b: {  	_ =	swait.ge [sflag:s31], $0x500  }
0x4c: {  	s26 =	sld [smem:$0x7FB];
	_ =	sdelay $0x1  }
0x4d: {  	[sflag:s31] =	ssyncset.done $0x0  }
0x4e: {  	s6 =	rddreg [dreg:$0x9];
	[sflag:s31] =	ssyncadd.s32 $0xFFFFFB00;
	s2 =	sshrl.u32 s26, $0x3  }
0x4f: {  	[hbm:s6], [sflag:s0] =	dma.local [spmem:s2], $0x500  }
0x50: {  	_ =	swait.ge [sflag:s31], $0x500  }
0x51: {  	s28 =	sld [smem:$0x7FC];
	_ =	sdelay $0x1  }
0x52: {  	[sflag:s31] =	ssyncset.done $0x0  }
0x53: {  	s6 =	rddreg [dreg:$0xa];
	[sflag:s31] =	ssyncadd.s32 $0xFFFFFB00;
	s2 =	sshrl.u32 s28, $0x3  }
0x54: {  	[hbm:s6], [sflag:s0] =	dma.local [spmem:s2], $0x500  }
0x55: {  	_ =	swait.ge [sflag:s31], $0x500  }
0x56: {  	s29 =	sld [smem:$0x7FD];
	_ =	sdelay $0x1  }
0x57: {  	[sflag:s31] =	ssyncset.done $0x0  }
0x58: {  	s6 =	rddreg [dreg:$0xb];
	[sflag:s31] =	ssyncadd.s32 $0xFFFFFB00;
	s2 =	sshrl.u32 s29, $0x3  }
0x59: {  	[hbm:s6], [sflag:s0] =	dma.local [spmem:s2], $0x500  }
0x5a: {  	_ =	swait.ge [sflag:s31], $0x500  }
0x5b: {  	s2 =	sld [smem:$0x7F6];
	_ =	sdelay $0x1  }
0x5c: {  	[sflag:s31] =	ssyncset.done $0x0  }
0x5d: {  	s6 =	rddreg [dreg:$0xc];
	[sflag:s31] =	ssyncadd.s32 $0xFFFFFB00;
	s2 =	sshrl.u32 @!p0 s2, $0x3  }
0x5e: {  	[hbm:s6], [sflag:s0] =	dma.local @!p0 [spmem:s2], $0x500  }
0x5f: {  	s0 =	simm.s32 @!p0 $0x6  }
0x60: {  	_ =	swait.ge @!p0 [sflag:s0], $0x500  }
0x61: {  	s2 =	sld [smem:$0x7F5];
	_ =	sdelay $0x2  }
0x62: {  	s31 =	rddreg [dreg:$0x1b];
	s6 =	sadd.s32 $0x1, s2  }
0x63: {  	p1 =	sne.s32 s6, s31  }
.Ltmp1:
0x64: {  	_ = 	snop;
	(pc) =	sbr.rel @!p1 .LBB2_13-.Ltmp1, $3  }
0x65: {  	_ =	sdelay $0x1  }
0x66: {  	[sflag:s0] =	ssyncset.done @!p0 $0x0  }
0x67: {  	[sflag:s0] =	ssyncadd.s32 @!p0 $0xFFFFFB00  }
.LBB2_1:
0x68: {  	[smem:$0x7F5] =	sst s6;
	s0 =	simm.s32 $0x0;
	s2 =	simm.s32 $0x200  }
.LBB2_2:
0x69: {  	p1 =	sne.s32 s2, $0x9E00;
	[tilespmem:s0+$0x70] =	vst v0  }
0x6a: {  	[tilespmem:s0+$0x0] =	vst v0  }
0x6b: {  	[tilespmem:s0+$0x10] =	vst v0  }
.Ltmp2:
0x6c: {  	[tilespmem:s0+$0x20] =	vst v0;
	(pc) =	sbr.rel @p1 .LBB2_2-.Ltmp2, $4  }
0x6d: {  	[tilespmem:s0+$0x30] =	vst v0  }
0x6e: {  	[tilespmem:s0+$0x40] =	vst v0  }
0x6f: {  	[tilespmem:s0+$0x50] =	vst v0  }
0x70: {  	[tilespmem:s0+$0x60] =	vst v0;
	s0 =	sshra.s32 s2, $0x2;
	s2 =	sadd.s32 $0x200, s2  }
0x71: {  	[tilespmem:s0+$0x70] =	vst v0  }
0x72: {  	[tilespmem:s0+$0x0] =	vst v0  }
0x73: {  	[tilespmem:s0+$0x10] =	vst v0  }
0x74: {  	[tilespmem:s0+$0x20] =	vst v0  }
0x75: {  	[tilespmem:s0+$0x30] =	vst v0  }
0x76: {  	[tilespmem:s0+$0x40] =	vst v0  }
0x77: {  	[tilespmem:s0+$0x50] =	vst v0  }
0x78: {  	[tilespmem:s0+$0x60] =	vst v0;
	s2 =	simm.s32 $0x6  }
0x79: {  	[spmem:s7] =	stream.linear.scatter [tilespmem:s5], [sflag:$0x6], $0x2800, $0x38;
	[tilespmem:$0x1E080] =	vst v63  }
0x7a: {  	_ =	swait.ge [sflag:s2], $0x2800  }
0x7b: {  	[sflag:s2] =	ssyncset.done $0x0  }
0x7c: {  	[sflag:s2] =	ssyncadd.s32 $0xFFFFD800  }
0x7d: {  	[spmem:s11] =	stream.linear.scatter [tilespmem:s5], [sflag:$0x6], $0x2800, $0x38;
	[tilespmem:$0x1E080] =	vst v63  }
0x7e: {  	_ =	swait.ge [sflag:s2], $0x2800  }
0x7f: {  	[sflag:s2] =	ssyncset.done $0x0  }
0x80: {  	[sflag:s2] =	ssyncadd.s32 $0xFFFFD800  }
0x81: {  	[spmem:s13] =	stream.linear.scatter [tilespmem:s5], [sflag:$0x6], $0x2800, $0x38;
	[tilespmem:$0x1E080] =	vst v63  }
0x82: {  	_ =	swait.ge [sflag:s2], $0x2800  }
0x83: {  	[sflag:s2] =	ssyncset.done $0x0  }
0x84: {  	[sflag:s2] =	ssyncadd.s32 $0xFFFFD800  }
0x85: {  	[spmem:s16] =	stream.linear.scatter [tilespmem:s5], [sflag:$0x6], $0x2800, $0x38;
	[tilespmem:$0x1E080] =	vst v63  }
0x86: {  	_ =	swait.ge [sflag:s2], $0x2800  }
0x87: {  	[sflag:s2] =	ssyncset.done $0x0  }
0x88: {  	[sflag:s2] =	ssyncadd.s32 $0xFFFFD800  }
0x89: {  	[spmem:s26] =	stream.linear.scatter [tilespmem:s5], [sflag:$0x6], $0x2800, $0x38;
	[tilespmem:$0x1E080] =	vst v63  }
0x8a: {  	_ =	swait.ge [sflag:s2], $0x2800  }
0x8b: {  	[sflag:s2] =	ssyncset.done $0x0  }
0x8c: {  	[sflag:s2] =	ssyncadd.s32 $0xFFFFD800  }
0x8d: {  	[spmem:s28] =	stream.linear.scatter [tilespmem:s5], [sflag:$0x6], $0x2800, $0x38;
	[tilespmem:$0x1E080] =	vst v63  }
0x8e: {  	_ =	swait.ge [sflag:s2], $0x2800  }
0x8f: {  	[sflag:s2] =	ssyncset.done $0x0  }
0x90: {  	[sflag:s2] =	ssyncadd.s32 $0xFFFFD800  }
0x91: {  	[spmem:s29] =	stream.linear.scatter [tilespmem:s5], [sflag:$0x6], $0x2800, $0x38;
	[tilespmem:$0x1E080] =	vst v63  }
0x92: {  	_ =	swait.ge [sflag:s2], $0x2800  }
0x93: {  	[sflag:s2] =	ssyncset.done $0x0  }
0x94: {  	[sflag:s2] =	ssyncadd.s32 $0xFFFFD800;
	s2 =	sld [smem:$0x7F6];
	_ =	sdelay $0x1  }
0x95: {  	s0 =	simm.s32 @!p0 $0x0  }
0x96: {  	[spmem:s2] =	stream.linear.scatter @!p0 [tilespmem:s0], [sflag:$0x6], $0x2800, $0x38;
	[tilespmem:$0x1E080] =	vst v63  }
0x97: {  	s0 =	simm.s32 @!p0 $0x6  }
0x98: {  	_ =	swait.ge @!p0 [sflag:s0], $0x2800  }
0x99: {  	s29 =	simm.s32 $0x0;
	[sflag:s0] =	ssyncset.done @!p0 $0x0  }
0x9a: {  	s2 =	simm.s32 $0xA000;
	s6 =	rddreg [dreg:$0x17];
	[sflag:s0] =	ssyncadd.s32 @!p0 $0xFFFFD800  }
0x9b: {  	[tilespmem:s2], [sflag:$0x1] =	stream.linear.gather [hbm4b:s6+s29], $0x50, $0x38;
	[tilespmem:$0x1E080] =	vst v63  }
0x9c: {  	s7 =	rddreg [dreg:$0x18];
	s6 =	simm.s32 $0xA400  }
0x9d: {  	[tilespmem:s6], [sflag:$0x2] =	stream.linear.gather [hbm4b:s7+s29], $0x50, $0x38;
	[tilespmem:$0x1E080] =	vst v63  }
0x9e: {  	s11 =	rddreg [dreg:$0xd];
	s6 =	simm.s32 $0xA080  }
0x9f: {  	[tilespmem:s6], [sflag:$0x1] =	stream.linear.gather [hbm4b:s11+s29], $0x50, $0x38;
	[tilespmem:$0x1E080] =	vst v63  }
0xa0: {  	s16 =	simm.s32 $0xA480;
	s13 =	rddreg [dreg:$0xe]  }
0xa1: {  	[tilespmem:s16], [sflag:$0x2] =	stream.linear.gather [hbm4b:s13+s29], $0x50, $0x38;
	[tilespmem:$0x1E080] =	vst v63  }
0xa2: {  	s26 =	rddreg [dreg:$0xf];
	s7 =	simm.s32 $0xA100  }
0xa3: {  	[tilespmem:s7], [sflag:$0x1] =	stream.linear.gather [hbm4b:s26+s29], $0x50, $0x38;
	[tilespmem:$0x1E080] =	vst v63  }
0xa4: {  	s31 =	simm.s32 $0xA500;
	s28 =	rddreg [dreg:$0x10]  }
0xa5: {  	[tilespmem:s31], [sflag:$0x2] =	stream.linear.gather [hbm4b:s28+s29], $0x50, $0x38;
	[tilespmem:$0x1E080] =	vst v63  }
0xa6: {  	s11 =	rddreg [dreg:$0x11];
	s13 =	simm.s32 $0xA180  }
0xa7: {  	[tilespmem:s13], [sflag:$0x1] =	stream.linear.gather [hbm4b:s11+s29], $0x50, $0x38;
	[tilespmem:$0x1E080] =	vst v63  }
0xa8: {  	s16 =	rddreg [dreg:$0x12];
	s26 =	simm.s32 $0xA580  }
0xa9: {  	[tilespmem:s26], [sflag:$0x2] =	stream.linear.gather [hbm4b:s16+s29], $0x50, $0x38;
	[tilespmem:$0x1E080] =	vst v63  }
0xaa: {  	s28 =	rddreg [dreg:$0x13];
	s31 =	simm.s32 $0xA200  }
0xab: {  	[tilespmem:s31], [sflag:$0x1] =	stream.linear.gather [hbm4b:s28+s29], $0x50, $0x38;
	[tilespmem:$0x1E080] =	vst v63  }
0xac: {  	s11 =	rddreg [dreg:$0x14];
	s13 =	simm.s32 $0xA600  }
0xad: {  	[tilespmem:s13], [sflag:$0x2] =	stream.linear.gather [hbm4b:s11+s29], $0x50, $0x38;
	[tilespmem:$0x1E080] =	vst v63  }
0xae: {  	s16 =	rddreg [dreg:$0x15];
	s26 =	simm.s32 $0xA280  }
0xaf: {  	[tilespmem:s26], [sflag:$0x1] =	stream.linear.gather [hbm4b:s16+s29], $0x50, $0x38;
	[tilespmem:$0x1E080] =	vst v63  }
0xb0: {  	s28 =	rddreg [dreg:$0x16];
	s31 =	simm.s32 $0xA680  }
0xb1: {  	[tilespmem:s31], [sflag:$0x2] =	stream.linear.gather [hbm4b:s28+s29], $0x50, $0x38;
	[tilespmem:$0x1E080] =	vst v63  }
0xb2: {  	s11 =	rddreg [dreg:$0x19];
	s13 =	simm.s32 $0xA300  }
0xb3: {  	[tilespmem:s13], [sflag:$0x1] =	stream.linear.gather [hbm4b:s11+s29], $0x50, $0x38;
	[tilespmem:$0x1E080] =	vst v63  }
0xb4: {  	s16 =	rddreg [dreg:$0x1a];
	s26 =	simm.s32 $0xA700  }
0xb5: {  	[tilespmem:s26], [sflag:$0x2] =	stream.linear.gather [hbm4b:s16+s29], $0x50, $0x38;
	[tilespmem:$0x1E080] =	vst v63  }
0xb6: {  	_ =	swait.ge [sflag:s9], $0x50  }
0xb7: {  	[sflag:s9] =	ssyncset.done $0x0  }
0xb8: {  	[sflag:s9] =	ssyncadd.s32 $0xFFFFFFB0  }
0xb9: {  	[tilespmem:s29], [sflag:$0x3] =	stream.indirect.gather [hbm4b:s1+s10], $0x80, s2, s10, $0xb8;
	[tilespmem:$0x1E080] =	vst v63  }
0xba: {  	_ =	swait.ge [sflag:s9], $0x50  }
0xbb: {  	[sflag:s9] =	ssyncset.done $0x0  }
0xbc: {  	s28 =	simm.s32 $0x2800;
	[sflag:s9] =	ssyncadd.s32 $0xFFFFFFB0  }
0xbd: {  	[tilespmem:s28], [sflag:$0x4] =	stream.indirect.gather [hbm4b:s1+s10], $0x80, s6, s10, $0xb8;
	[tilespmem:$0x1E080] =	vst v63  }
0xbe: {  	_ =	swait.ge [sflag:s9], $0x50  }
.Ltmp3:
0xbf: {  	[sflag:s9] =	ssyncset.done $0x0;
	(pc) =	sbr.rel .LBB2_4-.Ltmp3, $4  }
0xc0: {  	s31 =	simm.s32 $0x5000;
	[sflag:s9] =	ssyncadd.s32 $0xFFFFFFB0  }
0xc1: {  	[tilespmem:s31], [sflag:$0x3] =	stream.indirect.gather [hbm4b:s1+s10], $0x80, s7, s10, $0xb8;
	[tilespmem:$0x1E080] =	vst v63  }
0xc2: {  	[bflag:$0x0] =	sbarrier.arrive $0xFFFF  }
0xc3: {  	s13 =	simm.s32 $0x7;
	s2 =	simm.s32 $0x0;
	s26 =	sld [smem:$0x7FA]  }
.LBB2_8:
0xc4: {  	s0 =	sld [smem:$0x7F8];
	_ =	sdelay $0x1  }
0xc5: {  	s28 =	sld [smem:$0x7F7]  }
0xc6: {  	s6 =	simm.s32 $0xA300;
	s0 =	sadd.s32 s29, s0  }
0xc7: {  	[tilespmem:s6], [sflag:$0x1] =	stream.linear.gather [hbm4b:s0+s5], $0x50, $0x38;
	[tilespmem:$0x1E080] =	vst v63  }
0xc8: {  	s31 =	simm.s32 $0xA700;
	s0 =	sadd.s32 s29, s28  }
0xc9: {  	[tilespmem:s31], [sflag:$0x2] =	stream.linear.gather [hbm4b:s0+s5], $0x50, $0x38;
	[tilespmem:$0x1E080] =	vst v63  }
.LBB2_10:
0xca: {  	_ =	swait.ge [sflag:s9], $0x50  }
0xcb: {  	[sflag:s9] =	ssyncset.done $0x0  }
0xcc: {  	s0 =	simm.s32 $0xA100;
	s6 =	simm.s32 $0x5000;
	[sflag:s9] =	ssyncadd.s32 $0xFFFFFFB0  }
0xcd: {  	[tilespmem:s6], [sflag:$0x3] =	stream.indirect.gather [hbm4b:s1+s10], $0x80, s0, s10, $0xb8;
	[tilespmem:$0x1E080] =	vst v63  }
.LBB2_11:
0xce: {  	s29 =	sadd.s32 $0x50, s29  }
0xcf: {  	p1 =	sne.s32 s29, $0x500  }
.Ltmp4:
0xd0: {  	_ = 	snop;
	(pc) =	sbr.rel @!p1 .LBB2_12-.Ltmp4, $2  }
0xd1: {  	_ =	sdelay $0x2  }
0xd2: {  	s2 =	sadd.s32 $0x1, s2;
	s26 =	sadd.s32 $0x280, s26;
	s13 =	sadd.s32 $0x8, s13  }
.LBB2_4:
0xd3: {  	_ =	swait.ge [sflag:s8], $0x2800  }
0xd4: {  	[sflag:s8] =	ssyncset.done $0x0  }
0xd5: {  	[sflag:s8] =	ssyncadd.s32 $0xFFFFD800  }
0xd6: {  	p2 =	seq.s32 s29, $0x0;
	_ =	swait.ge [sflag:s12], $0x50  }
0xd7: {  	p1 =	sgt.u32 @!p2 s13, $0x7C;
	[sflag:s12] =	ssyncset.done $0x0  }
0xd8: {  	s0 =	simm.s32 $0xA400;
	p3 =	por p2, !p1;
	[sflag:s12] =	ssyncadd.s32 $0xFFFFFFB0  }
0xd9: {  	[spmem:s3] =	stream.indirect.scatter.add.f32 [tilespmem:s5], [sflag:$0x5], $0x80, s0, s10, $0xb8;
	[tilespmem:$0x1E080] =	vst v63  }
.Ltmp5:
0xda: {  	_ = 	snop;
	(pc) =	sbr.rel @!p3 .LBB2_6-.Ltmp5, $4  }
0xdb: {  	s0 =	simm.s32 @!p2 $0x5  }
0xdc: {  	_ =	swait.ge @!p2 [sflag:s0], $0x2800  }
0xdd: {  	[sflag:s0] =	ssyncset.done @!p2 $0x0  }
0xde: {  	p1 =	por @!p2 $0x0, $0x0;
	[sflag:s0] =	ssyncadd.s32 @!p2 $0xFFFFD800  }
0xdf: {  	s0 =	smov.u32 s13  }
0xe0: {  	s0 =	simm.s32 @p2 $0x7  }
0xe1: {  	s0 =	smul.u32 $0x50, s0  }
0xe2: {  	s6 =	rddreg [dreg:$0x4]  }
0xe3: {  	s0 =	sadd.s32 s6, s0  }
0xe4: {  	s0 =	sshrl.u32 s0, $0x3  }
0xe5: {  	s7 =	simm.s32 $0xA380;
	s28 =	sadd.s32 s14, s0  }
0xe6: {  	[tilespmem:s7], [sflag:$0x1] =	stream.linear.gather [hbm4b:s28+s5], $0x50, $0x38;
	[tilespmem:$0x1E080] =	vst v63  }
0xe7: {  	s31 =	simm.s32 $0xA780;
	p1 =	por $0x1, $0x1;
	s0 =	sadd.s32 s15, s0  }
0xe8: {  	[tilespmem:s31], [sflag:$0x2] =	stream.linear.gather [hbm4b:s0+s5], $0x50, $0x38;
	[tilespmem:$0x1E080] =	vst v63  }
.LBB2_6:
0xe9: {  	_ =	swait.ge [sflag:s9], $0x50  }
0xea: {  	[sflag:s9] =	ssyncset.done $0x0  }
0xeb: {  	s0 =	simm.s32 $0xA180;
	s6 =	simm.s32 $0x7800;
	[sflag:s9] =	ssyncadd.s32 $0xFFFFFFB0  }
0xec: {  	[tilespmem:s6], [sflag:$0x4] =	stream.indirect.gather [hbm4b:s1+s10], $0x80, s0, s10, $0xb8;
	[tilespmem:$0x1E080] =	vst v63  }
0xed: {  	_ =	swait.ge [sflag:s4], $0x2800  }
0xee: {  	[sflag:s4] =	ssyncset.done $0x0  }
0xef: {  	[sflag:s4] =	ssyncadd.s32 $0xFFFFD800  }
0xf0: {  	_ =	swait.ge [sflag:s12], $0x50  }
0xf1: {  	[sflag:s12] =	ssyncset.done $0x0  }
0xf2: {  	s7 =	simm.s32 $0xA480;
	s11 =	simm.s32 $0x2800;
	[sflag:s12] =	ssyncadd.s32 $0xFFFFFFB0  }
0xf3: {  	[spmem:s3] =	stream.indirect.scatter.add.f32 [tilespmem:s11], [sflag:$0x5], $0x80, s7, s10, $0xb8;
	[tilespmem:$0x1E080] =	vst v63  }
0xf4: {  	p2 =	seq.s32 s29, $0x4B0;
	_ =	swait.ge [sflag:s30], $0x2800  }
0xf5: {  	s31 =	simm.s32 @!p2 $0xA000;
	s6 =	sshrl.u32 @!p2 s26, $0x3;
	[sflag:s30] =	ssyncset.done $0x0  }
0xf6: {  	s0 =	simm.s32 @!p2 $0x0;
	s11 =	sadd.s32 @!p2 s14, s6;
	[sflag:s30] =	ssyncadd.s32 $0xFFFFD800  }
0xf7: {  	[tilespmem:s31], [sflag:$0x1] =	stream.linear.gather @!p2 [hbm4b:s11+s0], $0x50, $0x38;
	[tilespmem:$0x1E080] =	vst v63  }
0xf8: {  	s6 =	sadd.s32 @!p2 s15, s6;
	s11 =	simm.s32 @!p2 $0xA400  }
0xf9: {  	[tilespmem:s11], [sflag:$0x2] =	stream.linear.gather @!p2 [hbm4b:s6+s0], $0x50, $0x38;
	[tilespmem:$0x1E080] =	vst v63  }
0xfa: {  	_ =	swait.ge [sflag:s9], $0x50  }
0xfb: {  	[sflag:s9] =	ssyncset.done $0x0  }
0xfc: {  	s16 =	simm.s32 $0xA200;
	[sflag:s9] =	ssyncadd.s32 $0xFFFFFFB0  }
0xfd: {  	[tilespmem:s5], [sflag:$0x3] =	stream.indirect.gather [hbm4b:s1+s10], $0x80, s16, s10, $0xb8;
	[tilespmem:$0x1E080] =	vst v63  }
0xfe: {  	_ =	swait.ge [sflag:s8], $0x2800  }
0xff: {  	[sflag:s8] =	ssyncset.done $0x0  }
0x100: {  	[sflag:s8] =	ssyncadd.s32 $0xFFFFD800  }
0x101: {  	_ =	swait.ge [sflag:s12], $0x50  }
0x102: {  	[sflag:s12] =	ssyncset.done $0x0  }
0x103: {  	s28 =	simm.s32 $0xA500;
	s7 =	simm.s32 $0x5000;
	[sflag:s12] =	ssyncadd.s32 $0xFFFFFFB0  }
0x104: {  	[spmem:s3] =	stream.indirect.scatter.add.f32 [tilespmem:s7], [sflag:$0x5], $0x80, s28, s10, $0xb8;
	[tilespmem:$0x1E080] =	vst v63  }
0x105: {  	_ =	swait.ge [sflag:s30], $0x2800  }
0x106: {  	[sflag:s30] =	ssyncset.done $0x0  }
0x107: {  	s6 =	simm.s32 @p2 $0x4;
	[sflag:s30] =	ssyncadd.s32 $0xFFFFD800  }
0x108: {  	_ =	swait.ge @p2 [sflag:s6], $0x2800  }
0x109: {  	[sflag:s6] =	ssyncset.done @p2 $0x0  }
0x10a: {  	[sflag:s6] =	ssyncadd.s32 @p2 $0xFFFFD800;
	s6 =	simm.s32 @p2 $0x2  }
0x10b: {  	_ =	swait.ge @p2 [sflag:s6], $0x50  }
0x10c: {  	s31 =	simm.s32 @p2 $0x7800;
	[sflag:s6] =	ssyncset.done @p2 $0x0  }
0x10d: {  	s11 =	simm.s32 @p2 $0xA580;
	[sflag:s6] =	ssyncadd.s32 @p2 $0xFFFFFFB0;
	s6 =	simm.s32 @p2 $0x50  }
0x10e: {  	[spmem:s3] =	stream.indirect.scatter.add.f32 @p2 [tilespmem:s31], [sflag:$0x5], $0x80, s11, s6, $0xb8;
	[tilespmem:$0x1E080] =	vst v63  }
0x10f: {  	s6 =	simm.s32 @p2 $0x5  }
0x110: {  	_ =	swait.ge @p2 [sflag:s6], $0x2800  }
0x111: {  	[sflag:s6] =	ssyncset.done @p2 $0x0  }
0x112: {  	s11 =	simm.s32 @!p2 $0xA080;
	[sflag:s6] =	ssyncadd.s32 @p2 $0xFFFFD800;
	s6 =	sadd.s32 @!p2 s29, s25  }
0x113: {  	[tilespmem:s11], [sflag:$0x1] =	stream.linear.gather @!p2 [hbm4b:s6+s0], $0x50, $0x38;
	[tilespmem:$0x1E080] =	vst v63  }
0x114: {  	s6 =	sadd.s32 @!p2 s29, s24;
	s11 =	simm.s32 @!p2 $0xA480  }
0x115: {  	[tilespmem:s11], [sflag:$0x2] =	stream.linear.gather @!p2 [hbm4b:s6+s0], $0x50, $0x38;
	[tilespmem:$0x1E080] =	vst v63  }
0x116: {  	s6 =	simm.s32 @!p2 $0x1  }
0x117: {  	_ =	swait.ge @!p2 [sflag:s6], $0x50  }
0x118: {  	s7 =	simm.s32 @!p2 $0x2800;
	[sflag:s6] =	ssyncset.done @!p2 $0x0  }
0x119: {  	s31 =	simm.s32 @!p2 $0xA280;
	s11 =	simm.s32 @!p2 $0x50;
	[sflag:s6] =	ssyncadd.s32 @!p2 $0xFFFFFFB0  }
0x11a: {  	[tilespmem:s7], [sflag:$0x4] =	stream.indirect.gather @!p2 [hbm4b:s1+s11], $0x80, s31, s11, $0xb8;
	[tilespmem:$0x1E080] =	vst v63  }
0x11b: {  	s7 =	simm.s32 @!p2 $0x4  }
0x11c: {  	_ =	swait.ge @!p2 [sflag:s7], $0x2800  }
0x11d: {  	[sflag:s7] =	ssyncset.done @!p2 $0x0  }
0x11e: {  	[sflag:s7] =	ssyncadd.s32 @!p2 $0xFFFFD800;
	s7 =	simm.s32 @!p2 $0x2  }
0x11f: {  	_ =	swait.ge @!p2 [sflag:s7], $0x50  }
0x120: {  	[sflag:s7] =	ssyncset.done @!p2 $0x0  }
0x121: {  	s31 =	simm.s32 @!p2 $0x7800;
	[sflag:s7] =	ssyncadd.s32 @!p2 $0xFFFFFFB0;
	s7 =	simm.s32 @!p2 $0xA580  }
0x122: {  	[spmem:s3] =	stream.indirect.scatter.add.f32 @!p2 [tilespmem:s31], [sflag:$0x5], $0x80, s7, s11, $0xb8;
	[tilespmem:$0x1E080] =	vst v63  }
0x123: {  	s31 =	simm.s32 @!p2 $0x5  }
0x124: {  	_ =	swait.ge @!p2 [sflag:s31], $0x2800  }
0x125: {  	[sflag:s31] =	ssyncset.done @!p2 $0x0  }
0x126: {  	s28 =	simm.s32 @!p2 $0xA100;
	[sflag:s31] =	ssyncadd.s32 @!p2 $0xFFFFD800;
	s31 =	sadd.s32 @!p2 s29, s23  }
0x127: {  	[tilespmem:s28], [sflag:$0x1] =	stream.linear.gather @!p2 [hbm4b:s31+s0], $0x50, $0x38;
	[tilespmem:$0x1E080] =	vst v63  }
0x128: {  	s28 =	sadd.s32 @!p2 s29, s22;
	s31 =	simm.s32 @!p2 $0xA500  }
0x129: {  	[tilespmem:s31], [sflag:$0x2] =	stream.linear.gather @!p2 [hbm4b:s28+s0], $0x50, $0x38;
	[tilespmem:$0x1E080] =	vst v63  }
0x12a: {  	_ =	swait.ge @!p2 [sflag:s6], $0x50  }
0x12b: {  	[sflag:s6] =	ssyncset.done @!p2 $0x0  }
0x12c: {  	s28 =	simm.s32 @!p2 $0x5000;
	[sflag:s6] =	ssyncadd.s32 @!p2 $0xFFFFFFB0;
	s6 =	simm.s32 @!p2 $0xA300  }
0x12d: {  	[tilespmem:s28], [sflag:$0x3] =	stream.indirect.gather @!p2 [hbm4b:s1+s11], $0x80, s6, s11, $0xb8;
	[tilespmem:$0x1E080] =	vst v63  }
0x12e: {  	_ =	swait.ge [sflag:s8], $0x2800  }
0x12f: {  	[sflag:s8] =	ssyncset.done $0x0  }
0x130: {  	[sflag:s8] =	ssyncadd.s32 $0xFFFFD800  }
0x131: {  	_ =	swait.ge [sflag:s12], $0x50  }
0x132: {  	[sflag:s12] =	ssyncset.done $0x0  }
0x133: {  	s31 =	simm.s32 $0xA600;
	[sflag:s12] =	ssyncadd.s32 $0xFFFFFFB0  }
0x134: {  	[spmem:s3] =	stream.indirect.scatter.add.f32 [tilespmem:s5], [sflag:$0x5], $0x80, s31, s10, $0xb8;
	[tilespmem:$0x1E080] =	vst v63  }
0x135: {  	_ =	swait.ge [sflag:s30], $0x2800  }
0x136: {  	[sflag:s30] =	ssyncset.done $0x0  }
0x137: {  	s6 =	sadd.s32 @!p2 s29, s21;
	s11 =	simm.s32 @!p2 $0xA180;
	[sflag:s30] =	ssyncadd.s32 $0xFFFFD800  }
0x138: {  	[tilespmem:s11], [sflag:$0x1] =	stream.linear.gather @!p2 [hbm4b:s6+s0], $0x50, $0x38;
	[tilespmem:$0x1E080] =	vst v63  }
0x139: {  	s6 =	sadd.s32 @!p2 s29, s20  }
0x13a: {  	[tilespmem:s7], [sflag:$0x2] =	stream.linear.gather @!p2 [hbm4b:s6+s0], $0x50, $0x38;
	[tilespmem:$0x1E080] =	vst v63  }
0x13b: {  	s0 =	simm.s32 @p1 $0x1  }
0x13c: {  	_ =	swait.ge @p1 [sflag:s0], $0x50  }
0x13d: {  	p3 =	sgt.u32 s2, $0xE;
	s6 =	simm.s32 @p1 $0xA380;
	[sflag:s0] =	ssyncset.done @p1 $0x0  }
0x13e: {  	s7 =	simm.s32 @p1 $0x7800;
	[sflag:s0] =	ssyncadd.s32 @p1 $0xFFFFFFB0;
	s0 =	simm.s32 @p1 $0x50  }
0x13f: {  	[tilespmem:s7], [sflag:$0x4] =	stream.indirect.gather @p1 [hbm4b:s1+s0], $0x80, s6, s0, $0xb8;
	[tilespmem:$0x1E080] =	vst v63  }
0x140: {  	s0 =	simm.s32 @!p3 $0x4  }
0x141: {  	_ =	swait.ge @!p3 [sflag:s0], $0x2800  }
0x142: {  	[sflag:s0] =	ssyncset.done @!p3 $0x0  }
0x143: {  	[sflag:s0] =	ssyncadd.s32 @!p3 $0xFFFFD800;
	s0 =	simm.s32 @!p3 $0x2  }
0x144: {  	_ =	swait.ge @!p3 [sflag:s0], $0x50  }
0x145: {  	s11 =	simm.s32 @!p3 $0x2800;
	[sflag:s0] =	ssyncset.done @!p3 $0x0  }
0x146: {  	s6 =	simm.s32 @!p3 $0x50;
	s7 =	simm.s32 @!p3 $0xA680;
	[sflag:s0] =	ssyncadd.s32 @!p3 $0xFFFFFFB0  }
0x147: {  	[spmem:s3] =	stream.indirect.scatter.add.f32 @!p3 [tilespmem:s11], [sflag:$0x5], $0x80, s7, s6, $0xb8;
	[tilespmem:$0x1E080] =	vst v63  }
0x148: {  	s7 =	simm.s32 @!p3 $0x5  }
0x149: {  	_ =	swait.ge @!p3 [sflag:s7], $0x2800  }
0x14a: {  	s16 =	simm.s32 @!p3 $0xA200;
	[sflag:s7] =	ssyncset.done @!p3 $0x0  }
0x14b: {  	s28 =	sadd.s32 @!p3 s29, s19;
	s31 =	simm.s32 @!p3 $0x0;
	[sflag:s7] =	ssyncadd.s32 @!p3 $0xFFFFD800  }
0x14c: {  	[tilespmem:s16], [sflag:$0x1] =	stream.linear.gather @!p3 [hbm4b:s28+s31], $0x50, $0x38;
	[tilespmem:$0x1E080] =	vst v63  }
0x14d: {  	s16 =	sadd.s32 @!p3 s29, s18;
	s28 =	simm.s32 @!p3 $0xA600  }
0x14e: {  	[tilespmem:s28], [sflag:$0x2] =	stream.linear.gather @!p3 [hbm4b:s16+s31], $0x50, $0x38;
	[tilespmem:$0x1E080] =	vst v63  }
0x14f: {  	s16 =	simm.s32 @!p3 $0x1  }
0x150: {  	_ =	swait.ge @!p3 [sflag:s16], $0x50  }
0x151: {  	[sflag:s16] =	ssyncset.done @!p3 $0x0  }
0x152: {  	s28 =	simm.s32 @!p3 $0xA000;
	[sflag:s16] =	ssyncadd.s32 @!p3 $0xFFFFFFB0  }
0x153: {  	[tilespmem:s31], [sflag:$0x3] =	stream.indirect.gather @!p3 [hbm4b:s1+s6], $0x80, s28, s6, $0xb8;
	[tilespmem:$0x1E080] =	vst v63  }
0x154: {  	s28 =	simm.s32 @!p3 $0x3  }
0x155: {  	_ =	swait.ge @!p3 [sflag:s28], $0x2800  }
0x156: {  	[sflag:s28] =	ssyncset.done @!p3 $0x0  }
0x157: {  	[sflag:s28] =	ssyncadd.s32 @!p3 $0xFFFFD800  }
0x158: {  	_ =	swait.ge @!p3 [sflag:s0], $0x50  }
0x159: {  	p4 =	seq.s32 @!p3 s29, $0x460;
	[sflag:s0] =	ssyncset.done @!p3 $0x0  }
0x15a: {  	s28 =	simm.s32 @!p3 $0x5000;
	[sflag:s0] =	ssyncadd.s32 @!p3 $0xFFFFFFB0;
	s0 =	simm.s32 @!p3 $0xA700  }
0x15b: {  	[spmem:s3] =	stream.indirect.scatter.add.f32 @!p3 [tilespmem:s28], [sflag:$0x5], $0x80, s0, s6, $0xb8;
	[tilespmem:$0x1E080] =	vst v63  }
0x15c: {  	p4 =	por p4, p3;
	_ =	swait.ge @!p3 [sflag:s7], $0x2800  }
0x15d: {  	s0 =	sadd.s32 @!p4 s29, s17;
	[sflag:s7] =	ssyncset.done @!p3 $0x0  }
0x15e: {  	s28 =	simm.s32 @!p4 $0xA280;
	[sflag:s7] =	ssyncadd.s32 @!p3 $0xFFFFD800;
	s7 =	simm.s32 @!p4 $0x0  }
0x15f: {  	[tilespmem:s28], [sflag:$0x1] =	stream.linear.gather @!p4 [hbm4b:s0+s7], $0x50, $0x38;
	[tilespmem:$0x1E080] =	vst v63  }
0x160: {  	s0 =	sld [smem:$0x7F9];
	_ =	sdelay $0x2  }
0x161: {  	s28 =	simm.s32 @!p4 $0xA680;
	s0 =	sadd.s32 @!p4 s29, s0  }
0x162: {  	[tilespmem:s28], [sflag:$0x2] =	stream.linear.gather @!p4 [hbm4b:s0+s7], $0x50, $0x38;
	[tilespmem:$0x1E080] =	vst v63  }
.Ltmp6:
0x163: {  	_ = 	snop;
	(pc) =	sbr.rel @!p1 .LBB2_11-.Ltmp6, $4  }
0x164: {  	_ =	swait.ge @!p3 [sflag:s16], $0x50  }
0x165: {  	[sflag:s16] =	ssyncset.done @!p3 $0x0  }
0x166: {  	s0 =	simm.s32 @!p3 $0xA080;
	[sflag:s16] =	ssyncadd.s32 @!p3 $0xFFFFFFB0  }
0x167: {  	[tilespmem:s11], [sflag:$0x4] =	stream.indirect.gather @!p3 [hbm4b:s1+s6], $0x80, s0, s6, $0xb8;
	[tilespmem:$0x1E080] =	vst v63  }
0x168: {  	_ =	swait.ge [sflag:s4], $0x2800  }
0x169: {  	[sflag:s4] =	ssyncset.done $0x0  }
0x16a: {  	[sflag:s4] =	ssyncadd.s32 $0xFFFFD800  }
0x16b: {  	_ =	swait.ge [sflag:s12], $0x50  }
0x16c: {  	s0 =	simm.s32 $0xA780;
	p1 =	sgt.u32 s2, $0xD;
	[sflag:s12] =	ssyncset.done $0x0  }
.Ltmp7:
0x16d: {  	s6 =	simm.s32 $0x7800;
	[sflag:s12] =	ssyncadd.s32 $0xFFFFFFB0;
	(pc) =	sbr.rel @!p1 .LBB2_8-.Ltmp7, $4  }
0x16e: {  	[spmem:s3] =	stream.indirect.scatter.add.f32 [tilespmem:s6], [sflag:$0x5], $0x80, s0, s10, $0xb8;
	[tilespmem:$0x1E080] =	vst v63  }
0x16f: {  	_ =	swait.ge [sflag:s30], $0x2800  }
0x170: {  	[sflag:s30] =	ssyncset.done $0x0  }
0x171: {  	[sflag:s30] =	ssyncadd.s32 $0xFFFFD800  }
.Ltmp8:
0x172: {  	(pc) =	sbr.rel @!p2 .LBB2_10-.Ltmp8, $4  }
.Ltmp9:
0x173: {  	(pc) =	sbr.rel @p2 .LBB2_12-.Ltmp9, $4  }
0x174: {  	_ = 	snop  }
0x175: {  	_ = 	snop  }
0x176: {  	_ = 	snop  }
0x177: {  	_ = 	snop  }
.LBB2_13:
0x178: {  	_ =	sfence.sel $0x180000  }
0x179: {  	[bflag:$0x0] =	sbarrier.arrive $0xFFFF  }
0x17a: {  	_ =	strace $0x90000047  }
0x17b: {  	s0 =	stileid.u32;
	[bflag:$0x2] =	sbarrier.arrive $0xFFFF  }
0x17c: {  	p0 =	sne.s32 s0, $0x0;
	s0 =	rddreg [dreg:$0x3]  }
0x17d: {  	s0 =	sadd.s32 @!p0 $0x100000, s0  }
0x17e: {  	[sflag:s0] =	ssyncadd.tile.s32 @!p0 $0x1;
	_ =	shalt  }
.Lfunc_end2:
_tile_overlayer_lowered:
.L_overlay_start_2:
0x17f: {  	(tag) =	ssettag $0x2  }
0x180: {  	s0 =	rddreg [dreg:$0x0];
	s2 =	stileid.u32  }
0x181: {  	s1 =	rddreg [dreg:$0x1];
	p0 =	sne.s32 s2, $0x0  }
0x182: {  	s3 =	rddreg [dreg:$0x2];
	[bflag:$0x3] =	sbarrier.arrive $0xFFFF;
	s2 =	simm.s32 @!p0 $0x1C06  }
0x183: {  	[timem:s3], [sflag:s2] =	dma.local @!p0 [hbm:s0], s1  }
0x184: {  	s0 =	simm.s32 @!p0 $0x6  }
0x185: {  	_ =	swait.ge @!p0 [sflag:s0], s1  }
0x186: {  	s1 =	ssub.s32 @!p0 $0x0, s1;
	[sflag:s0] =	ssyncset.done @!p0 $0x0  }
0x187: {  	[sflag:s0] =	ssyncadd.s32 @!p0 s1  }
0x188: {  	[bflag:$0x3] =	sbarrier.arrive $0xFFFF  }
0x189: {  	_ =	shalt  }

</sc_bundles>
